<compile_context>
chip_gen: v7x
topology: tpu7x:2x2x1
jax: 0.10.2.dev20260603
libtpu: 0.0.44.dev20260713+nightly
codegen_flags: <defaults>
</compile_context>

<pallas_src>
import jax
import jax.numpy as jnp
from jax import lax
from jax.experimental import pallas as pl
from jax.experimental.pallas import tpu as pltpu, tpu_sc as plsc

_NC, _NS = 2, 16
_NW = _NC * _NS
_B = 16384
_DIM = 64
_OUTW = 3 * _DIM
_BPW = _B // _NW
_STREAM = 128
_NCHUNK = _BPW // _STREAM


def _gather_body(ent_hbm, rel_hbm, h_hbm, r_hbm, t_hbm, out_hbm,
                 hidx, ridx, tidx, hbuf, rbuf, tbuf,
                 gsem0, gsem1, gsem2, gsem3, isem, wsem):
    wid = lax.axis_index("s") * _NC + lax.axis_index("c")
    base = wid * _BPW
    i0 = pltpu.async_copy(h_hbm.at[pl.ds(base, _BPW)], hidx, isem)
    i1 = pltpu.async_copy(r_hbm.at[pl.ds(base, _BPW)], ridx, isem)
    i2 = pltpu.async_copy(t_hbm.at[pl.ds(base, _BPW)], tidx, isem)
    i0.wait()
    i1.wait()
    i2.wait()

    gsems = (gsem0, gsem1, gsem2, gsem3)
    gathers = []
    for c in range(_NCHUNK):
        s = pl.ds(c * _STREAM, _STREAM)
        gathers.append((
            pltpu.async_copy(ent_hbm.at[hidx.at[s]], hbuf.at[s], gsems[c]),
            pltpu.async_copy(rel_hbm.at[ridx.at[s]], rbuf.at[s], gsems[c]),
            pltpu.async_copy(ent_hbm.at[tidx.at[s]], tbuf.at[s], gsems[c]),
        ))

    writes = []
    for c in range(_NCHUNK):
        s = pl.ds(c * _STREAM, _STREAM)
        rows = pl.ds(base + c * _STREAM, _STREAM)
        for cp in gathers[c]:
            cp.wait()
        writes.append(pltpu.async_copy(
            hbuf.at[s], out_hbm.at[rows, pl.ds(0, _DIM)], wsem))
        writes.append(pltpu.async_copy(
            rbuf.at[s], out_hbm.at[rows, pl.ds(_DIM, _DIM)], wsem))
        writes.append(pltpu.async_copy(
            tbuf.at[s], out_hbm.at[rows, pl.ds(2 * _DIM, _DIM)], wsem))
    for cp in writes:
        cp.wait()


def kernel(entity_table, relation_table, h_idx, r_idx, t_idx, y):
    mesh = plsc.VectorSubcoreMesh(core_axis_name="c", subcore_axis_name="s")
    out = pl.kernel(
        _gather_body,
        out_type=jax.ShapeDtypeStruct((_B, _OUTW), jnp.float32),
        mesh=mesh,
        compiler_params=pltpu.CompilerParams(use_tc_tiling_on_sc=False),
        scratch_types=[
            pltpu.VMEM((_BPW,), jnp.int32),
            pltpu.VMEM((_BPW,), jnp.int32),
            pltpu.VMEM((_BPW,), jnp.int32),
            pltpu.VMEM((_BPW, _DIM), jnp.float32),
            pltpu.VMEM((_BPW, _DIM), jnp.float32),
            pltpu.VMEM((_BPW, _DIM), jnp.float32),
            pltpu.SemaphoreType.DMA,
            pltpu.SemaphoreType.DMA,
            pltpu.SemaphoreType.DMA,
            pltpu.SemaphoreType.DMA,
            pltpu.SemaphoreType.DMA,
            pltpu.SemaphoreType.DMA,
        ],
    )(entity_table, relation_table,
      h_idx.astype(jnp.int32), r_idx.astype(jnp.int32), t_idx.astype(jnp.int32))
    return out.reshape(-1)

# --- scband reference (transcript-rebuilt; emitter-appended) ---
"""Pipeline reference for scband-quantum-loss-88622355185932 (READ-ONLY COPY).

The authoritative reference and input builder live on the scoring server;
editing this copy changes nothing except your own understanding.
"""

import jax, jax.numpy as jnp
import numpy as np

NENT = 100000
NREL = 1000
DIM = 64  # len(interaction.get_circuit().parameters) // 3 == 192 // 3
B = 16384


def setup_inputs(seed: int = 0) -> dict:
    key = jax.random.key(seed)
    k1, k2, k3, k4, k5, k6 = jax.random.split(key, 6)
    return {
        "entity_table": jax.random.normal(k1, (NENT, DIM), dtype=jnp.float32),
        "relation_table": jax.random.normal(k2, (NREL, DIM), dtype=jnp.float32),
        "h_idx": jax.random.randint(k3, (B,), 0, NENT, dtype=jnp.int64 if jax.config.jax_enable_x64 else jnp.int32),
        "r_idx": jax.random.randint(k4, (B,), 0, NREL, dtype=jnp.int64 if jax.config.jax_enable_x64 else jnp.int32),
        "t_idx": jax.random.randint(k5, (B,), 0, NENT, dtype=jnp.int64 if jax.config.jax_enable_x64 else jnp.int32),
        "y": jax.random.randint(k6, (B,), 0, 2, dtype=jnp.int64 if jax.config.jax_enable_x64 else jnp.int32),
    }


def reference(entity_table, relation_table, h_idx, r_idx, t_idx, y):
    # Faithful translation of QuantumLoss.get_circuit_parameters, the classical
    # (SparseCore-relevant) portion of forward(): three embedding gathers,
    # concat along feature dim, flatten to the circuit-parameter vector.
    # The downstream quantum circuit evaluation (qiskit EstimatorQNN) is an
    # external simulator call and is out of scope for a jnp rewrite; y only
    # parameterizes circuit construction and does not touch the embeddings.
    h_representations = jnp.take(entity_table, h_idx, axis=0)
    r_representations = jnp.take(relation_table, r_idx, axis=0)
    t_representations = jnp.take(entity_table, t_idx, axis=0)
    circuit_parameters = jnp.concatenate(
        [h_representations, r_representations, t_representations], axis=1
    )
    return circuit_parameters.reshape(-1)

if __name__ == "__main__":
    import jax
    _d = setup_inputs()
    print(jax.jit(kernel)(*tuple(_d.values())))

</pallas_src>

<mosaic_0001>
#map = affine_map<(d0, d1) -> (0, 0)>
#map1 = affine_map<(d0, d1) -> (0)>
module attributes {stable_mosaic.version = 14 : i64} {
  func.func @_gather_body(%arg0: i32, %arg1: i32, %arg2: memref<100000x64xf32, #tpu.memory_space<hbm>>, %arg3: memref<1000x64xf32, #tpu.memory_space<hbm>>, %arg4: memref<16384xi32, #tpu.memory_space<hbm>>, %arg5: memref<16384xi32, #tpu.memory_space<hbm>>, %arg6: memref<16384xi32, #tpu.memory_space<hbm>>, %arg7: memref<16384x192xf32, #tpu.memory_space<hbm>>, %arg8: memref<512xi32, #tpu.memory_space<vmem>>, %arg9: memref<512xi32, #tpu.memory_space<vmem>>, %arg10: memref<512xi32, #tpu.memory_space<vmem>>, %arg11: memref<512x64xf32, #tpu.memory_space<vmem>>, %arg12: memref<512x64xf32, #tpu.memory_space<vmem>>, %arg13: memref<512x64xf32, #tpu.memory_space<vmem>>, %arg14: memref<!tpu.dma_semaphore, #tpu.memory_space<semaphore_mem>>, %arg15: memref<!tpu.dma_semaphore, #tpu.memory_space<semaphore_mem>>, %arg16: memref<!tpu.dma_semaphore, #tpu.memory_space<semaphore_mem>>, %arg17: memref<!tpu.dma_semaphore, #tpu.memory_space<semaphore_mem>>, %arg18: memref<!tpu.dma_semaphore, #tpu.memory_space<semaphore_mem>>, %arg19: memref<!tpu.dma_semaphore, #tpu.memory_space<semaphore_mem>>) attributes {dimension_semantics = [#tpu.dimension_semantics<core_parallel>, #tpu.dimension_semantics<subcore_parallel>], iteration_bounds = array<i64: 2, 16>, scalar_prefetch = 0 : i64, scratch_operands = 12 : i64, tpu.core_type = #tpu.core_type<sc_vector_subcore>, window_params = [{transform_indices = #map}, {transform_indices = #map}, {transform_indices = #map1}, {transform_indices = #map1}, {transform_indices = #map1}, {transform_indices = #map}]} {
    %mul3A = arith.constant 2 : i32
    %mul3A_0 = arith.muli %arg1, %mul3A : i32
    %add3A = arith.addi %mul3A_0, %arg0 : i32
    %mul3A_1 = arith.constant 512 : i32
    %mul3A_2 = arith.muli %add3A, %mul3A_1 : i32
    %dma_start3A = tpu.memref_slice %arg4[%mul3A_2] : memref<16384xi32, #tpu.memory_space<hbm>> -> memref<512xi32, #tpu.memory_space<hbm>>
    %dma_start3A_3 = tpu.memref_slice %arg4[%mul3A_2] : memref<16384xi32, #tpu.memory_space<hbm>> -> memref<512xi32, #tpu.memory_space<hbm>>
    tpu.enqueue_dma source(%dma_start3A_3 : memref<512xi32, #tpu.memory_space<hbm>>) target(%arg8 : memref<512xi32, #tpu.memory_space<vmem>>) target_semaphore(%arg18 : memref<!tpu.dma_semaphore, #tpu.memory_space<semaphore_mem>>)
    %dma_start3A_4 = tpu.memref_slice %arg5[%mul3A_2] : memref<16384xi32, #tpu.memory_space<hbm>> -> memref<512xi32, #tpu.memory_space<hbm>>
    %dma_start3A_5 = tpu.memref_slice %arg5[%mul3A_2] : memref<16384xi32, #tpu.memory_space<hbm>> -> memref<512xi32, #tpu.memory_space<hbm>>
    tpu.enqueue_dma source(%dma_start3A_5 : memref<512xi32, #tpu.memory_space<hbm>>) target(%arg9 : memref<512xi32, #tpu.memory_space<vmem>>) target_semaphore(%arg18 : memref<!tpu.dma_semaphore, #tpu.memory_space<semaphore_mem>>)
    %dma_start3A_6 = tpu.memref_slice %arg6[%mul3A_2] : memref<16384xi32, #tpu.memory_space<hbm>> -> memref<512xi32, #tpu.memory_space<hbm>>
    %dma_start3A_7 = tpu.memref_slice %arg6[%mul3A_2] : memref<16384xi32, #tpu.memory_space<hbm>> -> memref<512xi32, #tpu.memory_space<hbm>>
    tpu.enqueue_dma source(%dma_start3A_7 : memref<512xi32, #tpu.memory_space<hbm>>) target(%arg10 : memref<512xi32, #tpu.memory_space<vmem>>) target_semaphore(%arg18 : memref<!tpu.dma_semaphore, #tpu.memory_space<semaphore_mem>>)
    %dma_wait3A = tpu.memref_slice %arg4[%mul3A_2] : memref<16384xi32, #tpu.memory_space<hbm>> -> memref<512xi32, #tpu.memory_space<hbm>>
    %dma_wait3A_8 = tpu.memref_slice %arg4[%mul3A_2] : memref<16384xi32, #tpu.memory_space<hbm>> -> memref<512xi32, #tpu.memory_space<hbm>>
    tpu.wait_dma2 semaphore(%arg18 : memref<!tpu.dma_semaphore, #tpu.memory_space<semaphore_mem>>) src(%dma_wait3A_8 : memref<512xi32, #tpu.memory_space<hbm>>) dst(%arg8 : memref<512xi32, #tpu.memory_space<vmem>>)
    %dma_wait3A_9 = tpu.memref_slice %arg5[%mul3A_2] : memref<16384xi32, #tpu.memory_space<hbm>> -> memref<512xi32, #tpu.memory_space<hbm>>
    %dma_wait3A_10 = tpu.memref_slice %arg5[%mul3A_2] : memref<16384xi32, #tpu.memory_space<hbm>> -> memref<512xi32, #tpu.memory_space<hbm>>
    tpu.wait_dma2 semaphore(%arg18 : memref<!tpu.dma_semaphore, #tpu.memory_space<semaphore_mem>>) src(%dma_wait3A_10 : memref<512xi32, #tpu.memory_space<hbm>>) dst(%arg9 : memref<512xi32, #tpu.memory_space<vmem>>)
    %dma_wait3A_11 = tpu.memref_slice %arg6[%mul3A_2] : memref<16384xi32, #tpu.memory_space<hbm>> -> memref<512xi32, #tpu.memory_space<hbm>>
    %dma_wait3A_12 = tpu.memref_slice %arg6[%mul3A_2] : memref<16384xi32, #tpu.memory_space<hbm>> -> memref<512xi32, #tpu.memory_space<hbm>>
    tpu.wait_dma2 semaphore(%arg18 : memref<!tpu.dma_semaphore, #tpu.memory_space<semaphore_mem>>) src(%dma_wait3A_12 : memref<512xi32, #tpu.memory_space<hbm>>) dst(%arg10 : memref<512xi32, #tpu.memory_space<vmem>>)
    %dma_start3A_13 = arith.constant 0 : i32
    %dma_start3A_14 = arith.constant 0 : i32
    %dma_start3A_15 = tpu.memref_slice %arg11[%dma_start3A_13, %dma_start3A_14] : memref<512x64xf32, #tpu.memory_space<vmem>> -> memref<128x64xf32, #tpu.memory_space<vmem>>
    %dma_start3A_16 = arith.constant 0 : i32
    %dma_start3A_17 = tpu.memref_slice %arg8[%dma_start3A_16] : memref<512xi32, #tpu.memory_space<vmem>> -> memref<128xi32, #tpu.memory_space<vmem>>
    %dma_start3A_18 = arith.constant 0 : i32
    %dma_start3A_19 = arith.constant 0 : i32
    %dma_start3A_20 = tpu.memref_slice %arg2[%dma_start3A_18, %dma_start3A_19] : memref<100000x64xf32, #tpu.memory_space<hbm>> -> memref<100000x64xf32, #tpu.memory_space<hbm>>
    tpu.enqueue_indirect_dma source(%dma_start3A_20 : memref<100000x64xf32, #tpu.memory_space<hbm>>) target(%dma_start3A_15 : memref<128x64xf32, #tpu.memory_space<vmem>>) offsets(%dma_start3A_17 : memref<128xi32, #tpu.memory_space<vmem>>) semaphore(%arg14 : memref<!tpu.dma_semaphore, #tpu.memory_space<semaphore_mem>>)
    %dma_start3A_21 = arith.constant 0 : i32
    %dma_start3A_22 = arith.constant 0 : i32
    %dma_start3A_23 = tpu.memref_slice %arg12[%dma_start3A_21, %dma_start3A_22] : memref<512x64xf32, #tpu.memory_space<vmem>> -> memref<128x64xf32, #tpu.memory_space<vmem>>
    %dma_start3A_24 = arith.constant 0 : i32
    %dma_start3A_25 = tpu.memref_slice %arg9[%dma_start3A_24] : memref<512xi32, #tpu.memory_space<vmem>> -> memref<128xi32, #tpu.memory_space<vmem>>
    %dma_start3A_26 = arith.constant 0 : i32
    %dma_start3A_27 = arith.constant 0 : i32
    %dma_start3A_28 = tpu.memref_slice %arg3[%dma_start3A_26, %dma_start3A_27] : memref<1000x64xf32, #tpu.memory_space<hbm>> -> memref<1000x64xf32, #tpu.memory_space<hbm>>
    tpu.enqueue_indirect_dma source(%dma_start3A_28 : memref<1000x64xf32, #tpu.memory_space<hbm>>) target(%dma_start3A_23 : memref<128x64xf32, #tpu.memory_space<vmem>>) offsets(%dma_start3A_25 : memref<128xi32, #tpu.memory_space<vmem>>) semaphore(%arg14 : memref<!tpu.dma_semaphore, #tpu.memory_space<semaphore_mem>>)
    %dma_start3A_29 = arith.constant 0 : i32
    %dma_start3A_30 = arith.constant 0 : i32
    %dma_start3A_31 = tpu.memref_slice %arg13[%dma_start3A_29, %dma_start3A_30] : memref<512x64xf32, #tpu.memory_space<vmem>> -> memref<128x64xf32, #tpu.memory_space<vmem>>
    %dma_start3A_32 = arith.constant 0 : i32
    %dma_start3A_33 = tpu.memref_slice %arg10[%dma_start3A_32] : memref<512xi32, #tpu.memory_space<vmem>> -> memref<128xi32, #tpu.memory_space<vmem>>
    %dma_start3A_34 = arith.constant 0 : i32
    %dma_start3A_35 = arith.constant 0 : i32
    %dma_start3A_36 = tpu.memref_slice %arg2[%dma_start3A_34, %dma_start3A_35] : memref<100000x64xf32, #tpu.memory_space<hbm>> -> memref<100000x64xf32, #tpu.memory_space<hbm>>
    tpu.enqueue_indirect_dma source(%dma_start3A_36 : memref<100000x64xf32, #tpu.memory_space<hbm>>) target(%dma_start3A_31 : memref<128x64xf32, #tpu.memory_space<vmem>>) offsets(%dma_start3A_33 : memref<128xi32, #tpu.memory_space<vmem>>) semaphore(%arg14 : memref<!tpu.dma_semaphore, #tpu.memory_space<semaphore_mem>>)
    %dma_start3A_37 = arith.constant 128 : i32
    %dma_start3A_38 = arith.constant 0 : i32
    %dma_start3A_39 = tpu.memref_slice %arg11[%dma_start3A_37, %dma_start3A_38] : memref<512x64xf32, #tpu.memory_space<vmem>> -> memref<128x64xf32, #tpu.memory_space<vmem>>
    %dma_start3A_40 = arith.constant 128 : i32
    %dma_start3A_41 = tpu.memref_slice %arg8[%dma_start3A_40] : memref<512xi32, #tpu.memory_space<vmem>> -> memref<128xi32, #tpu.memory_space<vmem>>
    %dma_start3A_42 = arith.constant 0 : i32
    %dma_start3A_43 = arith.constant 0 : i32
    %dma_start3A_44 = tpu.memref_slice %arg2[%dma_start3A_42, %dma_start3A_43] : memref<100000x64xf32, #tpu.memory_space<hbm>> -> memref<100000x64xf32, #tpu.memory_space<hbm>>
    tpu.enqueue_indirect_dma source(%dma_start3A_44 : memref<100000x64xf32, #tpu.memory_space<hbm>>) target(%dma_start3A_39 : memref<128x64xf32, #tpu.memory_space<vmem>>) offsets(%dma_start3A_41 : memref<128xi32, #tpu.memory_space<vmem>>) semaphore(%arg15 : memref<!tpu.dma_semaphore, #tpu.memory_space<semaphore_mem>>)
    %dma_start3A_45 = arith.constant 128 : i32
    %dma_start3A_46 = arith.constant 0 : i32
    %dma_start3A_47 = tpu.memref_slice %arg12[%dma_start3A_45, %dma_start3A_46] : memref<512x64xf32, #tpu.memory_space<vmem>> -> memref<128x64xf32, #tpu.memory_space<vmem>>
    %dma_start3A_48 = arith.constant 128 : i32
    %dma_start3A_49 = tpu.memref_slice %arg9[%dma_start3A_48] : memref<512xi32, #tpu.memory_space<vmem>> -> memref<128xi32, #tpu.memory_space<vmem>>
    %dma_start3A_50 = arith.constant 0 : i32
    %dma_start3A_51 = arith.constant 0 : i32
    %dma_start3A_52 = tpu.memref_slice %arg3[%dma_start3A_50, %dma_start3A_51] : memref<1000x64xf32, #tpu.memory_space<hbm>> -> memref<1000x64xf32, #tpu.memory_space<hbm>>
    tpu.enqueue_indirect_dma source(%dma_start3A_52 : memref<1000x64xf32, #tpu.memory_space<hbm>>) target(%dma_start3A_47 : memref<128x64xf32, #tpu.memory_space<vmem>>) offsets(%dma_start3A_49 : memref<128xi32, #tpu.memory_space<vmem>>) semaphore(%arg15 : memref<!tpu.dma_semaphore, #tpu.memory_space<semaphore_mem>>)
    %dma_start3A_53 = arith.constant 128 : i32
    %dma_start3A_54 = arith.constant 0 : i32
    %dma_start3A_55 = tpu.memref_slice %arg13[%dma_start3A_53, %dma_start3A_54] : memref<512x64xf32, #tpu.memory_space<vmem>> -> memref<128x64xf32, #tpu.memory_space<vmem>>
    %dma_start3A_56 = arith.constant 128 : i32
    %dma_start3A_57 = tpu.memref_slice %arg10[%dma_start3A_56] : memref<512xi32, #tpu.memory_space<vmem>> -> memref<128xi32, #tpu.memory_space<vmem>>
    %dma_start3A_58 = arith.constant 0 : i32
    %dma_start3A_59 = arith.constant 0 : i32
    %dma_start3A_60 = tpu.memref_slice %arg2[%dma_start3A_58, %dma_start3A_59] : memref<100000x64xf32, #tpu.memory_space<hbm>> -> memref<100000x64xf32, #tpu.memory_space<hbm>>
    tpu.enqueue_indirect_dma source(%dma_start3A_60 : memref<100000x64xf32, #tpu.memory_space<hbm>>) target(%dma_start3A_55 : memref<128x64xf32, #tpu.memory_space<vmem>>) offsets(%dma_start3A_57 : memref<128xi32, #tpu.memory_space<vmem>>) semaphore(%arg15 : memref<!tpu.dma_semaphore, #tpu.memory_space<semaphore_mem>>)
    %dma_start3A_61 = arith.constant 256 : i32
    %dma_start3A_62 = arith.constant 0 : i32
    %dma_start3A_63 = tpu.memref_slice %arg11[%dma_start3A_61, %dma_start3A_62] : memref<512x64xf32, #tpu.memory_space<vmem>> -> memref<128x64xf32, #tpu.memory_space<vmem>>
    %dma_start3A_64 = arith.constant 256 : i32
    %dma_start3A_65 = tpu.memref_slice %arg8[%dma_start3A_64] : memref<512xi32, #tpu.memory_space<vmem>> -> memref<128xi32, #tpu.memory_space<vmem>>
    %dma_start3A_66 = arith.constant 0 : i32
    %dma_start3A_67 = arith.constant 0 : i32
    %dma_start3A_68 = tpu.memref_slice %arg2[%dma_start3A_66, %dma_start3A_67] : memref<100000x64xf32, #tpu.memory_space<hbm>> -> memref<100000x64xf32, #tpu.memory_space<hbm>>
    tpu.enqueue_indirect_dma source(%dma_start3A_68 : memref<100000x64xf32, #tpu.memory_space<hbm>>) target(%dma_start3A_63 : memref<128x64xf32, #tpu.memory_space<vmem>>) offsets(%dma_start3A_65 : memref<128xi32, #tpu.memory_space<vmem>>) semaphore(%arg16 : memref<!tpu.dma_semaphore, #tpu.memory_space<semaphore_mem>>)
    %dma_start3A_69 = arith.constant 256 : i32
    %dma_start3A_70 = arith.constant 0 : i32
    %dma_start3A_71 = tpu.memref_slice %arg12[%dma_start3A_69, %dma_start3A_70] : memref<512x64xf32, #tpu.memory_space<vmem>> -> memref<128x64xf32, #tpu.memory_space<vmem>>
    %dma_start3A_72 = arith.constant 256 : i32
    %dma_start3A_73 = tpu.memref_slice %arg9[%dma_start3A_72] : memref<512xi32, #tpu.memory_space<vmem>> -> memref<128xi32, #tpu.memory_space<vmem>>
    %dma_start3A_74 = arith.constant 0 : i32
    %dma_start3A_75 = arith.constant 0 : i32
    %dma_start3A_76 = tpu.memref_slice %arg3[%dma_start3A_74, %dma_start3A_75] : memref<1000x64xf32, #tpu.memory_space<hbm>> -> memref<1000x64xf32, #tpu.memory_space<hbm>>
    tpu.enqueue_indirect_dma source(%dma_start3A_76 : memref<1000x64xf32, #tpu.memory_space<hbm>>) target(%dma_start3A_71 : memref<128x64xf32, #tpu.memory_space<vmem>>) offsets(%dma_start3A_73 : memref<128xi32, #tpu.memory_space<vmem>>) semaphore(%arg16 : memref<!tpu.dma_semaphore, #tpu.memory_space<semaphore_mem>>)
    %dma_start3A_77 = arith.constant 256 : i32
    %dma_start3A_78 = arith.constant 0 : i32
    %dma_start3A_79 = tpu.memref_slice %arg13[%dma_start3A_77, %dma_start3A_78] : memref<512x64xf32, #tpu.memory_space<vmem>> -> memref<128x64xf32, #tpu.memory_space<vmem>>
    %dma_start3A_80 = arith.constant 256 : i32
    %dma_start3A_81 = tpu.memref_slice %arg10[%dma_start3A_80] : memref<512xi32, #tpu.memory_space<vmem>> -> memref<128xi32, #tpu.memory_space<vmem>>
    %dma_start3A_82 = arith.constant 0 : i32
    %dma_start3A_83 = arith.constant 0 : i32
    %dma_start3A_84 = tpu.memref_slice %arg2[%dma_start3A_82, %dma_start3A_83] : memref<100000x64xf32, #tpu.memory_space<hbm>> -> memref<100000x64xf32, #tpu.memory_space<hbm>>
    tpu.enqueue_indirect_dma source(%dma_start3A_84 : memref<100000x64xf32, #tpu.memory_space<hbm>>) target(%dma_start3A_79 : memref<128x64xf32, #tpu.memory_space<vmem>>) offsets(%dma_start3A_81 : memref<128xi32, #tpu.memory_space<vmem>>) semaphore(%arg16 : memref<!tpu.dma_semaphore, #tpu.memory_space<semaphore_mem>>)
    %dma_start3A_85 = arith.constant 384 : i32
    %dma_start3A_86 = arith.constant 0 : i32
    %dma_start3A_87 = tpu.memref_slice %arg11[%dma_start3A_85, %dma_start3A_86] : memref<512x64xf32, #tpu.memory_space<vmem>> -> memref<128x64xf32, #tpu.memory_space<vmem>>
    %dma_start3A_88 = arith.constant 384 : i32
    %dma_start3A_89 = tpu.memref_slice %arg8[%dma_start3A_88] : memref<512xi32, #tpu.memory_space<vmem>> -> memref<128xi32, #tpu.memory_space<vmem>>
    %dma_start3A_90 = arith.constant 0 : i32
    %dma_start3A_91 = arith.constant 0 : i32
    %dma_start3A_92 = tpu.memref_slice %arg2[%dma_start3A_90, %dma_start3A_91] : memref<100000x64xf32, #tpu.memory_space<hbm>> -> memref<100000x64xf32, #tpu.memory_space<hbm>>
    tpu.enqueue_indirect_dma source(%dma_start3A_92 : memref<100000x64xf32, #tpu.memory_space<hbm>>) target(%dma_start3A_87 : memref<128x64xf32, #tpu.memory_space<vmem>>) offsets(%dma_start3A_89 : memref<128xi32, #tpu.memory_space<vmem>>) semaphore(%arg17 : memref<!tpu.dma_semaphore, #tpu.memory_space<semaphore_mem>>)
    %dma_start3A_93 = arith.constant 384 : i32
    %dma_start3A_94 = arith.constant 0 : i32
    %dma_start3A_95 = tpu.memref_slice %arg12[%dma_start3A_93, %dma_start3A_94] : memref<512x64xf32, #tpu.memory_space<vmem>> -> memref<128x64xf32, #tpu.memory_space<vmem>>
    %dma_start3A_96 = arith.constant 384 : i32
    %dma_start3A_97 = tpu.memref_slice %arg9[%dma_start3A_96] : memref<512xi32, #tpu.memory_space<vmem>> -> memref<128xi32, #tpu.memory_space<vmem>>
    %dma_start3A_98 = arith.constant 0 : i32
    %dma_start3A_99 = arith.constant 0 : i32
    %dma_start3A_100 = tpu.memref_slice %arg3[%dma_start3A_98, %dma_start3A_99] : memref<1000x64xf32, #tpu.memory_space<hbm>> -> memref<1000x64xf32, #tpu.memory_space<hbm>>
    tpu.enqueue_indirect_dma source(%dma_start3A_100 : memref<1000x64xf32, #tpu.memory_space<hbm>>) target(%dma_start3A_95 : memref<128x64xf32, #tpu.memory_space<vmem>>) offsets(%dma_start3A_97 : memref<128xi32, #tpu.memory_space<vmem>>) semaphore(%arg17 : memref<!tpu.dma_semaphore, #tpu.memory_space<semaphore_mem>>)
    %dma_start3A_101 = arith.constant 384 : i32
    %dma_start3A_102 = arith.constant 0 : i32
    %dma_start3A_103 = tpu.memref_slice %arg13[%dma_start3A_101, %dma_start3A_102] : memref<512x64xf32, #tpu.memory_space<vmem>> -> memref<128x64xf32, #tpu.memory_space<vmem>>
    %dma_start3A_104 = arith.constant 384 : i32
    %dma_start3A_105 = tpu.memref_slice %arg10[%dma_start3A_104] : memref<512xi32, #tpu.memory_space<vmem>> -> memref<128xi32, #tpu.memory_space<vmem>>
    %dma_start3A_106 = arith.constant 0 : i32
    %dma_start3A_107 = arith.constant 0 : i32
    %dma_start3A_108 = tpu.memref_slice %arg2[%dma_start3A_106, %dma_start3A_107] : memref<100000x64xf32, #tpu.memory_space<hbm>> -> memref<100000x64xf32, #tpu.memory_space<hbm>>
    tpu.enqueue_indirect_dma source(%dma_start3A_108 : memref<100000x64xf32, #tpu.memory_space<hbm>>) target(%dma_start3A_103 : memref<128x64xf32, #tpu.memory_space<vmem>>) offsets(%dma_start3A_105 : memref<128xi32, #tpu.memory_space<vmem>>) semaphore(%arg17 : memref<!tpu.dma_semaphore, #tpu.memory_space<semaphore_mem>>)
    %add3A_109 = arith.constant 0 : i32
    %add3A_110 = arith.addi %mul3A_2, %add3A_109 : i32
    %dma_wait3A_111 = arith.constant 0 : i32
    %dma_wait3A_112 = arith.constant 0 : i32
    %dma_wait3A_113 = tpu.memref_slice %arg11[%dma_wait3A_111, %dma_wait3A_112] : memref<512x64xf32, #tpu.memory_space<vmem>> -> memref<128x64xf32, #tpu.memory_space<vmem>>
    %dma_wait3A_114 = arith.constant 0 : i32
    %dma_wait3A_115 = tpu.memref_slice %arg8[%dma_wait3A_114] : memref<512xi32, #tpu.memory_space<vmem>> -> memref<128xi32, #tpu.memory_space<vmem>>
    %dma_wait3A_116 = arith.constant 0 : i32
    %dma_wait3A_117 = arith.constant 0 : i32
    %dma_wait3A_118 = tpu.memref_slice %arg2[%dma_wait3A_116, %dma_wait3A_117] : memref<100000x64xf32, #tpu.memory_space<hbm>> -> memref<100000x64xf32, #tpu.memory_space<hbm>>
    tpu.wait_indirect_dma semaphore(%arg14 : memref<!tpu.dma_semaphore, #tpu.memory_space<semaphore_mem>>) src(%dma_wait3A_118 : memref<100000x64xf32, #tpu.memory_space<hbm>>) dst(%dma_wait3A_113 : memref<128x64xf32, #tpu.memory_space<vmem>>)
    %dma_wait3A_119 = arith.constant 0 : i32
    %dma_wait3A_120 = arith.constant 0 : i32
    %dma_wait3A_121 = tpu.memref_slice %arg12[%dma_wait3A_119, %dma_wait3A_120] : memref<512x64xf32, #tpu.memory_space<vmem>> -> memref<128x64xf32, #tpu.memory_space<vmem>>
    %dma_wait3A_122 = arith.constant 0 : i32
    %dma_wait3A_123 = tpu.memref_slice %arg9[%dma_wait3A_122] : memref<512xi32, #tpu.memory_space<vmem>> -> memref<128xi32, #tpu.memory_space<vmem>>
    %dma_wait3A_124 = arith.constant 0 : i32
    %dma_wait3A_125 = arith.constant 0 : i32
    %dma_wait3A_126 = tpu.memref_slice %arg3[%dma_wait3A_124, %dma_wait3A_125] : memref<1000x64xf32, #tpu.memory_space<hbm>> -> memref<1000x64xf32, #tpu.memory_space<hbm>>
    tpu.wait_indirect_dma semaphore(%arg14 : memref<!tpu.dma_semaphore, #tpu.memory_space<semaphore_mem>>) src(%dma_wait3A_126 : memref<1000x64xf32, #tpu.memory_space<hbm>>) dst(%dma_wait3A_121 : memref<128x64xf32, #tpu.memory_space<vmem>>)
    %dma_wait3A_127 = arith.constant 0 : i32
    %dma_wait3A_128 = arith.constant 0 : i32
    %dma_wait3A_129 = tpu.memref_slice %arg13[%dma_wait3A_127, %dma_wait3A_128] : memref<512x64xf32, #tpu.memory_space<vmem>> -> memref<128x64xf32, #tpu.memory_space<vmem>>
    %dma_wait3A_130 = arith.constant 0 : i32
    %dma_wait3A_131 = tpu.memref_slice %arg10[%dma_wait3A_130] : memref<512xi32, #tpu.memory_space<vmem>> -> memref<128xi32, #tpu.memory_space<vmem>>
    %dma_wait3A_132 = arith.constant 0 : i32
    %dma_wait3A_133 = arith.constant 0 : i32
    %dma_wait3A_134 = tpu.memref_slice %arg2[%dma_wait3A_132, %dma_wait3A_133] : memref<100000x64xf32, #tpu.memory_space<hbm>> -> memref<100000x64xf32, #tpu.memory_space<hbm>>
    tpu.wait_indirect_dma semaphore(%arg14 : memref<!tpu.dma_semaphore, #tpu.memory_space<semaphore_mem>>) src(%dma_wait3A_134 : memref<100000x64xf32, #tpu.memory_space<hbm>>) dst(%dma_wait3A_129 : memref<128x64xf32, #tpu.memory_space<vmem>>)
    %dma_start3A_135 = arith.constant 0 : i32
    %dma_start3A_136 = arith.constant 0 : i32
    %dma_start3A_137 = tpu.memref_slice %arg11[%dma_start3A_135, %dma_start3A_136] : memref<512x64xf32, #tpu.memory_space<vmem>> -> memref<128x64xf32, #tpu.memory_space<vmem>>
    %dma_start3A_138 = arith.constant 0 : i32
    %dma_start3A_139 = tpu.memref_slice %arg7[%add3A_110, %dma_start3A_138] : memref<16384x192xf32, #tpu.memory_space<hbm>> -> memref<128x64xf32, #tpu.memory_space<hbm>>
    %dma_start3A_140 = arith.constant 0 : i32
    %dma_start3A_141 = tpu.memref_slice %arg7[%add3A_110, %dma_start3A_140] : memref<16384x192xf32, #tpu.memory_space<hbm>> -> memref<128x64xf32, #tpu.memory_space<hbm>>
    %dma_start3A_142 = arith.constant 0 : i32
    %dma_start3A_143 = arith.constant 0 : i32
    %dma_start3A_144 = tpu.memref_slice %arg11[%dma_start3A_142, %dma_start3A_143] : memref<512x64xf32, #tpu.memory_space<vmem>> -> memref<128x64xf32, #tpu.memory_space<vmem>>
    tpu.enqueue_dma source(%dma_start3A_144 : memref<128x64xf32, #tpu.memory_space<vmem>>) target(%dma_start3A_141 : memref<128x64xf32, #tpu.memory_space<hbm>>) target_semaphore(%arg19 : memref<!tpu.dma_semaphore, #tpu.memory_space<semaphore_mem>>)
    %dma_start3A_145 = arith.constant 0 : i32
    %dma_start3A_146 = arith.constant 0 : i32
    %dma_start3A_147 = tpu.memref_slice %arg12[%dma_start3A_145, %dma_start3A_146] : memref<512x64xf32, #tpu.memory_space<vmem>> -> memref<128x64xf32, #tpu.memory_space<vmem>>
    %dma_start3A_148 = arith.constant 64 : i32
    %dma_start3A_149 = tpu.memref_slice %arg7[%add3A_110, %dma_start3A_148] : memref<16384x192xf32, #tpu.memory_space<hbm>> -> memref<128x64xf32, #tpu.memory_space<hbm>>
    %dma_start3A_150 = arith.constant 64 : i32
    %dma_start3A_151 = tpu.memref_slice %arg7[%add3A_110, %dma_start3A_150] : memref<16384x192xf32, #tpu.memory_space<hbm>> -> memref<128x64xf32, #tpu.memory_space<hbm>>
    %dma_start3A_152 = arith.constant 0 : i32
    %dma_start3A_153 = arith.constant 0 : i32
    %dma_start3A_154 = tpu.memref_slice %arg12[%dma_start3A_152, %dma_start3A_153] : memref<512x64xf32, #tpu.memory_space<vmem>> -> memref<128x64xf32, #tpu.memory_space<vmem>>
    tpu.enqueue_dma source(%dma_start3A_154 : memref<128x64xf32, #tpu.memory_space<vmem>>) target(%dma_start3A_151 : memref<128x64xf32, #tpu.memory_space<hbm>>) target_semaphore(%arg19 : memref<!tpu.dma_semaphore, #tpu.memory_space<semaphore_mem>>)
    %dma_start3A_155 = arith.constant 0 : i32
    %dma_start3A_156 = arith.constant 0 : i32
    %dma_start3A_157 = tpu.memref_slice %arg13[%dma_start3A_155, %dma_start3A_156] : memref<512x64xf32, #tpu.memory_space<vmem>> -> memref<128x64xf32, #tpu.memory_space<vmem>>
    %dma_start3A_158 = arith.constant 128 : i32
    %dma_start3A_159 = tpu.memref_slice %arg7[%add3A_110, %dma_start3A_158] : memref<16384x192xf32, #tpu.memory_space<hbm>> -> memref<128x64xf32, #tpu.memory_space<hbm>>
    %dma_start3A_160 = arith.constant 128 : i32
    %dma_start3A_161 = tpu.memref_slice %arg7[%add3A_110, %dma_start3A_160] : memref<16384x192xf32, #tpu.memory_space<hbm>> -> memref<128x64xf32, #tpu.memory_space<hbm>>
    %dma_start3A_162 = arith.constant 0 : i32
    %dma_start3A_163 = arith.constant 0 : i32
    %dma_start3A_164 = tpu.memref_slice %arg13[%dma_start3A_162, %dma_start3A_163] : memref<512x64xf32, #tpu.memory_space<vmem>> -> memref<128x64xf32, #tpu.memory_space<vmem>>
    tpu.enqueue_dma source(%dma_start3A_164 : memref<128x64xf32, #tpu.memory_space<vmem>>) target(%dma_start3A_161 : memref<128x64xf32, #tpu.memory_space<hbm>>) target_semaphore(%arg19 : memref<!tpu.dma_semaphore, #tpu.memory_space<semaphore_mem>>)
    %add3A_165 = arith.constant 128 : i32
    %add3A_166 = arith.addi %mul3A_2, %add3A_165 : i32
    %dma_wait3A_167 = arith.constant 128 : i32
    %dma_wait3A_168 = arith.constant 0 : i32
    %dma_wait3A_169 = tpu.memref_slice %arg11[%dma_wait3A_167, %dma_wait3A_168] : memref<512x64xf32, #tpu.memory_space<vmem>> -> memref<128x64xf32, #tpu.memory_space<vmem>>
    %dma_wait3A_170 = arith.constant 128 : i32
    %dma_wait3A_171 = tpu.memref_slice %arg8[%dma_wait3A_170] : memref<512xi32, #tpu.memory_space<vmem>> -> memref<128xi32, #tpu.memory_space<vmem>>
    %dma_wait3A_172 = arith.constant 0 : i32
    %dma_wait3A_173 = arith.constant 0 : i32
    %dma_wait3A_174 = tpu.memref_slice %arg2[%dma_wait3A_172, %dma_wait3A_173] : memref<100000x64xf32, #tpu.memory_space<hbm>> -> memref<100000x64xf32, #tpu.memory_space<hbm>>
    tpu.wait_indirect_dma semaphore(%arg15 : memref<!tpu.dma_semaphore, #tpu.memory_space<semaphore_mem>>) src(%dma_wait3A_174 : memref<100000x64xf32, #tpu.memory_space<hbm>>) dst(%dma_wait3A_169 : memref<128x64xf32, #tpu.memory_space<vmem>>)
    %dma_wait3A_175 = arith.constant 128 : i32
    %dma_wait3A_176 = arith.constant 0 : i32
    %dma_wait3A_177 = tpu.memref_slice %arg12[%dma_wait3A_175, %dma_wait3A_176] : memref<512x64xf32, #tpu.memory_space<vmem>> -> memref<128x64xf32, #tpu.memory_space<vmem>>
    %dma_wait3A_178 = arith.constant 128 : i32
    %dma_wait3A_179 = tpu.memref_slice %arg9[%dma_wait3A_178] : memref<512xi32, #tpu.memory_space<vmem>> -> memref<128xi32, #tpu.memory_space<vmem>>
    %dma_wait3A_180 = arith.constant 0 : i32
    %dma_wait3A_181 = arith.constant 0 : i32
    %dma_wait3A_182 = tpu.memref_slice %arg3[%dma_wait3A_180, %dma_wait3A_181] : memref<1000x64xf32, #tpu.memory_space<hbm>> -> memref<1000x64xf32, #tpu.memory_space<hbm>>
    tpu.wait_indirect_dma semaphore(%arg15 : memref<!tpu.dma_semaphore, #tpu.memory_space<semaphore_mem>>) src(%dma_wait3A_182 : memref<1000x64xf32, #tpu.memory_space<hbm>>) dst(%dma_wait3A_177 : memref<128x64xf32, #tpu.memory_space<vmem>>)
    %dma_wait3A_183 = arith.constant 128 : i32
    %dma_wait3A_184 = arith.constant 0 : i32
    %dma_wait3A_185 = tpu.memref_slice %arg13[%dma_wait3A_183, %dma_wait3A_184] : memref<512x64xf32, #tpu.memory_space<vmem>> -> memref<128x64xf32, #tpu.memory_space<vmem>>
    %dma_wait3A_186 = arith.constant 128 : i32
    %dma_wait3A_187 = tpu.memref_slice %arg10[%dma_wait3A_186] : memref<512xi32, #tpu.memory_space<vmem>> -> memref<128xi32, #tpu.memory_space<vmem>>
    %dma_wait3A_188 = arith.constant 0 : i32
    %dma_wait3A_189 = arith.constant 0 : i32
    %dma_wait3A_190 = tpu.memref_slice %arg2[%dma_wait3A_188, %dma_wait3A_189] : memref<100000x64xf32, #tpu.memory_space<hbm>> -> memref<100000x64xf32, #tpu.memory_space<hbm>>
    tpu.wait_indirect_dma semaphore(%arg15 : memref<!tpu.dma_semaphore, #tpu.memory_space<semaphore_mem>>) src(%dma_wait3A_190 : memref<100000x64xf32, #tpu.memory_space<hbm>>) dst(%dma_wait3A_185 : memref<128x64xf32, #tpu.memory_space<vmem>>)
    %dma_start3A_191 = arith.constant 128 : i32
    %dma_start3A_192 = arith.constant 0 : i32
    %dma_start3A_193 = tpu.memref_slice %arg11[%dma_start3A_191, %dma_start3A_192] : memref<512x64xf32, #tpu.memory_space<vmem>> -> memref<128x64xf32, #tpu.memory_space<vmem>>
    %dma_start3A_194 = arith.constant 0 : i32
    %dma_start3A_195 = tpu.memref_slice %arg7[%add3A_166, %dma_start3A_194] : memref<16384x192xf32, #tpu.memory_space<hbm>> -> memref<128x64xf32, #tpu.memory_space<hbm>>
    %dma_start3A_196 = arith.constant 0 : i32
    %dma_start3A_197 = tpu.memref_slice %arg7[%add3A_166, %dma_start3A_196] : memref<16384x192xf32, #tpu.memory_space<hbm>> -> memref<128x64xf32, #tpu.memory_space<hbm>>
    %dma_start3A_198 = arith.constant 128 : i32
    %dma_start3A_199 = arith.constant 0 : i32
    %dma_start3A_200 = tpu.memref_slice %arg11[%dma_start3A_198, %dma_start3A_199] : memref<512x64xf32, #tpu.memory_space<vmem>> -> memref<128x64xf32, #tpu.memory_space<vmem>>
    tpu.enqueue_dma source(%dma_start3A_200 : memref<128x64xf32, #tpu.memory_space<vmem>>) target(%dma_start3A_197 : memref<128x64xf32, #tpu.memory_space<hbm>>) target_semaphore(%arg19 : memref<!tpu.dma_semaphore, #tpu.memory_space<semaphore_mem>>)
    %dma_start3A_201 = arith.constant 128 : i32
    %dma_start3A_202 = arith.constant 0 : i32
    %dma_start3A_203 = tpu.memref_slice %arg12[%dma_start3A_201, %dma_start3A_202] : memref<512x64xf32, #tpu.memory_space<vmem>> -> memref<128x64xf32, #tpu.memory_space<vmem>>
    %dma_start3A_204 = arith.constant 64 : i32
    %dma_start3A_205 = tpu.memref_slice %arg7[%add3A_166, %dma_start3A_204] : memref<16384x192xf32, #tpu.memory_space<hbm>> -> memref<128x64xf32, #tpu.memory_space<hbm>>
    %dma_start3A_206 = arith.constant 64 : i32
    %dma_start3A_207 = tpu.memref_slice %arg7[%add3A_166, %dma_start3A_206] : memref<16384x192xf32, #tpu.memory_space<hbm>> -> memref<128x64xf32, #tpu.memory_space<hbm>>
    %dma_start3A_208 = arith.constant 128 : i32
    %dma_start3A_209 = arith.constant 0 : i32
    %dma_start3A_210 = tpu.memref_slice %arg12[%dma_start3A_208, %dma_start3A_209] : memref<512x64xf32, #tpu.memory_space<vmem>> -> memref<128x64xf32, #tpu.memory_space<vmem>>
    tpu.enqueue_dma source(%dma_start3A_210 : memref<128x64xf32, #tpu.memory_space<vmem>>) target(%dma_start3A_207 : memref<128x64xf32, #tpu.memory_space<hbm>>) target_semaphore(%arg19 : memref<!tpu.dma_semaphore, #tpu.memory_space<semaphore_mem>>)
    %dma_start3A_211 = arith.constant 128 : i32
    %dma_start3A_212 = arith.constant 0 : i32
    %dma_start3A_213 = tpu.memref_slice %arg13[%dma_start3A_211, %dma_start3A_212] : memref<512x64xf32, #tpu.memory_space<vmem>> -> memref<128x64xf32, #tpu.memory_space<vmem>>
    %dma_start3A_214 = arith.constant 128 : i32
    %dma_start3A_215 = tpu.memref_slice %arg7[%add3A_166, %dma_start3A_214] : memref<16384x192xf32, #tpu.memory_space<hbm>> -> memref<128x64xf32, #tpu.memory_space<hbm>>
    %dma_start3A_216 = arith.constant 128 : i32
    %dma_start3A_217 = tpu.memref_slice %arg7[%add3A_166, %dma_start3A_216] : memref<16384x192xf32, #tpu.memory_space<hbm>> -> memref<128x64xf32, #tpu.memory_space<hbm>>
    %dma_start3A_218 = arith.constant 128 : i32
    %dma_start3A_219 = arith.constant 0 : i32
    %dma_start3A_220 = tpu.memref_slice %arg13[%dma_start3A_218, %dma_start3A_219] : memref<512x64xf32, #tpu.memory_space<vmem>> -> memref<128x64xf32, #tpu.memory_space<vmem>>
    tpu.enqueue_dma source(%dma_start3A_220 : memref<128x64xf32, #tpu.memory_space<vmem>>) target(%dma_start3A_217 : memref<128x64xf32, #tpu.memory_space<hbm>>) target_semaphore(%arg19 : memref<!tpu.dma_semaphore, #tpu.memory_space<semaphore_mem>>)
    %add3A_221 = arith.constant 256 : i32
    %add3A_222 = arith.addi %mul3A_2, %add3A_221 : i32
    %dma_wait3A_223 = arith.constant 256 : i32
    %dma_wait3A_224 = arith.constant 0 : i32
    %dma_wait3A_225 = tpu.memref_slice %arg11[%dma_wait3A_223, %dma_wait3A_224] : memref<512x64xf32, #tpu.memory_space<vmem>> -> memref<128x64xf32, #tpu.memory_space<vmem>>
    %dma_wait3A_226 = arith.constant 256 : i32
    %dma_wait3A_227 = tpu.memref_slice %arg8[%dma_wait3A_226] : memref<512xi32, #tpu.memory_space<vmem>> -> memref<128xi32, #tpu.memory_space<vmem>>
    %dma_wait3A_228 = arith.constant 0 : i32
    %dma_wait3A_229 = arith.constant 0 : i32
    %dma_wait3A_230 = tpu.memref_slice %arg2[%dma_wait3A_228, %dma_wait3A_229] : memref<100000x64xf32, #tpu.memory_space<hbm>> -> memref<100000x64xf32, #tpu.memory_space<hbm>>
    tpu.wait_indirect_dma semaphore(%arg16 : memref<!tpu.dma_semaphore, #tpu.memory_space<semaphore_mem>>) src(%dma_wait3A_230 : memref<100000x64xf32, #tpu.memory_space<hbm>>) dst(%dma_wait3A_225 : memref<128x64xf32, #tpu.memory_space<vmem>>)
    %dma_wait3A_231 = arith.constant 256 : i32
    %dma_wait3A_232 = arith.constant 0 : i32
    %dma_wait3A_233 = tpu.memref_slice %arg12[%dma_wait3A_231, %dma_wait3A_232] : memref<512x64xf32, #tpu.memory_space<vmem>> -> memref<128x64xf32, #tpu.memory_space<vmem>>
    %dma_wait3A_234 = arith.constant 256 : i32
    %dma_wait3A_235 = tpu.memref_slice %arg9[%dma_wait3A_234] : memref<512xi32, #tpu.memory_space<vmem>> -> memref<128xi32, #tpu.memory_space<vmem>>
    %dma_wait3A_236 = arith.constant 0 : i32
    %dma_wait3A_237 = arith.constant 0 : i32
    %dma_wait3A_238 = tpu.memref_slice %arg3[%dma_wait3A_236, %dma_wait3A_237] : memref<1000x64xf32, #tpu.memory_space<hbm>> -> memref<1000x64xf32, #tpu.memory_space<hbm>>
    tpu.wait_indirect_dma semaphore(%arg16 : memref<!tpu.dma_semaphore, #tpu.memory_space<semaphore_mem>>) src(%dma_wait3A_238 : memref<1000x64xf32, #tpu.memory_space<hbm>>) dst(%dma_wait3A_233 : memref<128x64xf32, #tpu.memory_space<vmem>>)
    %dma_wait3A_239 = arith.constant 256 : i32
    %dma_wait3A_240 = arith.constant 0 : i32
    %dma_wait3A_241 = tpu.memref_slice %arg13[%dma_wait3A_239, %dma_wait3A_240] : memref<512x64xf32, #tpu.memory_space<vmem>> -> memref<128x64xf32, #tpu.memory_space<vmem>>
    %dma_wait3A_242 = arith.constant 256 : i32
    %dma_wait3A_243 = tpu.memref_slice %arg10[%dma_wait3A_242] : memref<512xi32, #tpu.memory_space<vmem>> -> memref<128xi32, #tpu.memory_space<vmem>>
    %dma_wait3A_244 = arith.constant 0 : i32
    %dma_wait3A_245 = arith.constant 0 : i32
    %dma_wait3A_246 = tpu.memref_slice %arg2[%dma_wait3A_244, %dma_wait3A_245] : memref<100000x64xf32, #tpu.memory_space<hbm>> -> memref<100000x64xf32, #tpu.memory_space<hbm>>
    tpu.wait_indirect_dma semaphore(%arg16 : memref<!tpu.dma_semaphore, #tpu.memory_space<semaphore_mem>>) src(%dma_wait3A_246 : memref<100000x64xf32, #tpu.memory_space<hbm>>) dst(%dma_wait3A_241 : memref<128x64xf32, #tpu.memory_space<vmem>>)
    %dma_start3A_247 = arith.constant 256 : i32
    %dma_start3A_248 = arith.constant 0 : i32
    %dma_start3A_249 = tpu.memref_slice %arg11[%dma_start3A_247, %dma_start3A_248] : memref<512x64xf32, #tpu.memory_space<vmem>> -> memref<128x64xf32, #tpu.memory_space<vmem>>
    %dma_start3A_250 = arith.constant 0 : i32
    %dma_start3A_251 = tpu.memref_slice %arg7[%add3A_222, %dma_start3A_250] : memref<16384x192xf32, #tpu.memory_space<hbm>> -> memref<128x64xf32, #tpu.memory_space<hbm>>
    %dma_start3A_252 = arith.constant 0 : i32
    %dma_start3A_253 = tpu.memref_slice %arg7[%add3A_222, %dma_start3A_252] : memref<16384x192xf32, #tpu.memory_space<hbm>> -> memref<128x64xf32, #tpu.memory_space<hbm>>
    %dma_start3A_254 = arith.constant 256 : i32
    %dma_start3A_255 = arith.constant 0 : i32
    %dma_start3A_256 = tpu.memref_slice %arg11[%dma_start3A_254, %dma_start3A_255] : memref<512x64xf32, #tpu.memory_space<vmem>> -> memref<128x64xf32, #tpu.memory_space<vmem>>
    tpu.enqueue_dma source(%dma_start3A_256 : memref<128x64xf32, #tpu.memory_space<vmem>>) target(%dma_start3A_253 : memref<128x64xf32, #tpu.memory_space<hbm>>) target_semaphore(%arg19 : memref<!tpu.dma_semaphore, #tpu.memory_space<semaphore_mem>>)
    %dma_start3A_257 = arith.constant 256 : i32
    %dma_start3A_258 = arith.constant 0 : i32
    %dma_start3A_259 = tpu.memref_slice %arg12[%dma_start3A_257, %dma_start3A_258] : memref<512x64xf32, #tpu.memory_space<vmem>> -> memref<128x64xf32, #tpu.memory_space<vmem>>
    %dma_start3A_260 = arith.constant 64 : i32
    %dma_start3A_261 = tpu.memref_slice %arg7[%add3A_222, %dma_start3A_260] : memref<16384x192xf32, #tpu.memory_space<hbm>> -> memref<128x64xf32, #tpu.memory_space<hbm>>
    %dma_start3A_262 = arith.constant 64 : i32
    %dma_start3A_263 = tpu.memref_slice %arg7[%add3A_222, %dma_start3A_262] : memref<16384x192xf32, #tpu.memory_space<hbm>> -> memref<128x64xf32, #tpu.memory_space<hbm>>
    %dma_start3A_264 = arith.constant 256 : i32
    %dma_start3A_265 = arith.constant 0 : i32
    %dma_start3A_266 = tpu.memref_slice %arg12[%dma_start3A_264, %dma_start3A_265] : memref<512x64xf32, #tpu.memory_space<vmem>> -> memref<128x64xf32, #tpu.memory_space<vmem>>
    tpu.enqueue_dma source(%dma_start3A_266 : memref<128x64xf32, #tpu.memory_space<vmem>>) target(%dma_start3A_263 : memref<128x64xf32, #tpu.memory_space<hbm>>) target_semaphore(%arg19 : memref<!tpu.dma_semaphore, #tpu.memory_space<semaphore_mem>>)
    %dma_start3A_267 = arith.constant 256 : i32
    %dma_start3A_268 = arith.constant 0 : i32
    %dma_start3A_269 = tpu.memref_slice %arg13[%dma_start3A_267, %dma_start3A_268] : memref<512x64xf32, #tpu.memory_space<vmem>> -> memref<128x64xf32, #tpu.memory_space<vmem>>
    %dma_start3A_270 = arith.constant 128 : i32
    %dma_start3A_271 = tpu.memref_slice %arg7[%add3A_222, %dma_start3A_270] : memref<16384x192xf32, #tpu.memory_space<hbm>> -> memref<128x64xf32, #tpu.memory_space<hbm>>
    %dma_start3A_272 = arith.constant 128 : i32
    %dma_start3A_273 = tpu.memref_slice %arg7[%add3A_222, %dma_start3A_272] : memref<16384x192xf32, #tpu.memory_space<hbm>> -> memref<128x64xf32, #tpu.memory_space<hbm>>
    %dma_start3A_274 = arith.constant 256 : i32
    %dma_start3A_275 = arith.constant 0 : i32
    %dma_start3A_276 = tpu.memref_slice %arg13[%dma_start3A_274, %dma_start3A_275] : memref<512x64xf32, #tpu.memory_space<vmem>> -> memref<128x64xf32, #tpu.memory_space<vmem>>
    tpu.enqueue_dma source(%dma_start3A_276 : memref<128x64xf32, #tpu.memory_space<vmem>>) target(%dma_start3A_273 : memref<128x64xf32, #tpu.memory_space<hbm>>) target_semaphore(%arg19 : memref<!tpu.dma_semaphore, #tpu.memory_space<semaphore_mem>>)
    %add3A_277 = arith.constant 384 : i32
    %add3A_278 = arith.addi %mul3A_2, %add3A_277 : i32
    %dma_wait3A_279 = arith.constant 384 : i32
    %dma_wait3A_280 = arith.constant 0 : i32
    %dma_wait3A_281 = tpu.memref_slice %arg11[%dma_wait3A_279, %dma_wait3A_280] : memref<512x64xf32, #tpu.memory_space<vmem>> -> memref<128x64xf32, #tpu.memory_space<vmem>>
    %dma_wait3A_282 = arith.constant 384 : i32
    %dma_wait3A_283 = tpu.memref_slice %arg8[%dma_wait3A_282] : memref<512xi32, #tpu.memory_space<vmem>> -> memref<128xi32, #tpu.memory_space<vmem>>
    %dma_wait3A_284 = arith.constant 0 : i32
    %dma_wait3A_285 = arith.constant 0 : i32
    %dma_wait3A_286 = tpu.memref_slice %arg2[%dma_wait3A_284, %dma_wait3A_285] : memref<100000x64xf32, #tpu.memory_space<hbm>> -> memref<100000x64xf32, #tpu.memory_space<hbm>>
    tpu.wait_indirect_dma semaphore(%arg17 : memref<!tpu.dma_semaphore, #tpu.memory_space<semaphore_mem>>) src(%dma_wait3A_286 : memref<100000x64xf32, #tpu.memory_space<hbm>>) dst(%dma_wait3A_281 : memref<128x64xf32, #tpu.memory_space<vmem>>)
    %dma_wait3A_287 = arith.constant 384 : i32
    %dma_wait3A_288 = arith.constant 0 : i32
    %dma_wait3A_289 = tpu.memref_slice %arg12[%dma_wait3A_287, %dma_wait3A_288] : memref<512x64xf32, #tpu.memory_space<vmem>> -> memref<128x64xf32, #tpu.memory_space<vmem>>
    %dma_wait3A_290 = arith.constant 384 : i32
    %dma_wait3A_291 = tpu.memref_slice %arg9[%dma_wait3A_290] : memref<512xi32, #tpu.memory_space<vmem>> -> memref<128xi32, #tpu.memory_space<vmem>>
    %dma_wait3A_292 = arith.constant 0 : i32
    %dma_wait3A_293 = arith.constant 0 : i32
    %dma_wait3A_294 = tpu.memref_slice %arg3[%dma_wait3A_292, %dma_wait3A_293] : memref<1000x64xf32, #tpu.memory_space<hbm>> -> memref<1000x64xf32, #tpu.memory_space<hbm>>
    tpu.wait_indirect_dma semaphore(%arg17 : memref<!tpu.dma_semaphore, #tpu.memory_space<semaphore_mem>>) src(%dma_wait3A_294 : memref<1000x64xf32, #tpu.memory_space<hbm>>) dst(%dma_wait3A_289 : memref<128x64xf32, #tpu.memory_space<vmem>>)
    %dma_wait3A_295 = arith.constant 384 : i32
    %dma_wait3A_296 = arith.constant 0 : i32
    %dma_wait3A_297 = tpu.memref_slice %arg13[%dma_wait3A_295, %dma_wait3A_296] : memref<512x64xf32, #tpu.memory_space<vmem>> -> memref<128x64xf32, #tpu.memory_space<vmem>>
    %dma_wait3A_298 = arith.constant 384 : i32
    %dma_wait3A_299 = tpu.memref_slice %arg10[%dma_wait3A_298] : memref<512xi32, #tpu.memory_space<vmem>> -> memref<128xi32, #tpu.memory_space<vmem>>
    %dma_wait3A_300 = arith.constant 0 : i32
    %dma_wait3A_301 = arith.constant 0 : i32
    %dma_wait3A_302 = tpu.memref_slice %arg2[%dma_wait3A_300, %dma_wait3A_301] : memref<100000x64xf32, #tpu.memory_space<hbm>> -> memref<100000x64xf32, #tpu.memory_space<hbm>>
    tpu.wait_indirect_dma semaphore(%arg17 : memref<!tpu.dma_semaphore, #tpu.memory_space<semaphore_mem>>) src(%dma_wait3A_302 : memref<100000x64xf32, #tpu.memory_space<hbm>>) dst(%dma_wait3A_297 : memref<128x64xf32, #tpu.memory_space<vmem>>)
    %dma_start3A_303 = arith.constant 384 : i32
    %dma_start3A_304 = arith.constant 0 : i32
    %dma_start3A_305 = tpu.memref_slice %arg11[%dma_start3A_303, %dma_start3A_304] : memref<512x64xf32, #tpu.memory_space<vmem>> -> memref<128x64xf32, #tpu.memory_space<vmem>>
    %dma_start3A_306 = arith.constant 0 : i32
    %dma_start3A_307 = tpu.memref_slice %arg7[%add3A_278, %dma_start3A_306] : memref<16384x192xf32, #tpu.memory_space<hbm>> -> memref<128x64xf32, #tpu.memory_space<hbm>>
    %dma_start3A_308 = arith.constant 0 : i32
    %dma_start3A_309 = tpu.memref_slice %arg7[%add3A_278, %dma_start3A_308] : memref<16384x192xf32, #tpu.memory_space<hbm>> -> memref<128x64xf32, #tpu.memory_space<hbm>>
    %dma_start3A_310 = arith.constant 384 : i32
    %dma_start3A_311 = arith.constant 0 : i32
    %dma_start3A_312 = tpu.memref_slice %arg11[%dma_start3A_310, %dma_start3A_311] : memref<512x64xf32, #tpu.memory_space<vmem>> -> memref<128x64xf32, #tpu.memory_space<vmem>>
    tpu.enqueue_dma source(%dma_start3A_312 : memref<128x64xf32, #tpu.memory_space<vmem>>) target(%dma_start3A_309 : memref<128x64xf32, #tpu.memory_space<hbm>>) target_semaphore(%arg19 : memref<!tpu.dma_semaphore, #tpu.memory_space<semaphore_mem>>)
    %dma_start3A_313 = arith.constant 384 : i32
    %dma_start3A_314 = arith.constant 0 : i32
    %dma_start3A_315 = tpu.memref_slice %arg12[%dma_start3A_313, %dma_start3A_314] : memref<512x64xf32, #tpu.memory_space<vmem>> -> memref<128x64xf32, #tpu.memory_space<vmem>>
    %dma_start3A_316 = arith.constant 64 : i32
    %dma_start3A_317 = tpu.memref_slice %arg7[%add3A_278, %dma_start3A_316] : memref<16384x192xf32, #tpu.memory_space<hbm>> -> memref<128x64xf32, #tpu.memory_space<hbm>>
    %dma_start3A_318 = arith.constant 64 : i32
    %dma_start3A_319 = tpu.memref_slice %arg7[%add3A_278, %dma_start3A_318] : memref<16384x192xf32, #tpu.memory_space<hbm>> -> memref<128x64xf32, #tpu.memory_space<hbm>>
    %dma_start3A_320 = arith.constant 384 : i32
    %dma_start3A_321 = arith.constant 0 : i32
    %dma_start3A_322 = tpu.memref_slice %arg12[%dma_start3A_320, %dma_start3A_321] : memref<512x64xf32, #tpu.memory_space<vmem>> -> memref<128x64xf32, #tpu.memory_space<vmem>>
    tpu.enqueue_dma source(%dma_start3A_322 : memref<128x64xf32, #tpu.memory_space<vmem>>) target(%dma_start3A_319 : memref<128x64xf32, #tpu.memory_space<hbm>>) target_semaphore(%arg19 : memref<!tpu.dma_semaphore, #tpu.memory_space<semaphore_mem>>)
    %dma_start3A_323 = arith.constant 384 : i32
    %dma_start3A_324 = arith.constant 0 : i32
    %dma_start3A_325 = tpu.memref_slice %arg13[%dma_start3A_323, %dma_start3A_324] : memref<512x64xf32, #tpu.memory_space<vmem>> -> memref<128x64xf32, #tpu.memory_space<vmem>>
    %dma_start3A_326 = arith.constant 128 : i32
    %dma_start3A_327 = tpu.memref_slice %arg7[%add3A_278, %dma_start3A_326] : memref<16384x192xf32, #tpu.memory_space<hbm>> -> memref<128x64xf32, #tpu.memory_space<hbm>>
    %dma_start3A_328 = arith.constant 128 : i32
    %dma_start3A_329 = tpu.memref_slice %arg7[%add3A_278, %dma_start3A_328] : memref<16384x192xf32, #tpu.memory_space<hbm>> -> memref<128x64xf32, #tpu.memory_space<hbm>>
    %dma_start3A_330 = arith.constant 384 : i32
    %dma_start3A_331 = arith.constant 0 : i32
    %dma_start3A_332 = tpu.memref_slice %arg13[%dma_start3A_330, %dma_start3A_331] : memref<512x64xf32, #tpu.memory_space<vmem>> -> memref<128x64xf32, #tpu.memory_space<vmem>>
    tpu.enqueue_dma source(%dma_start3A_332 : memref<128x64xf32, #tpu.memory_space<vmem>>) target(%dma_start3A_329 : memref<128x64xf32, #tpu.memory_space<hbm>>) target_semaphore(%arg19 : memref<!tpu.dma_semaphore, #tpu.memory_space<semaphore_mem>>)
    %dma_wait3A_333 = arith.constant 0 : i32
    %dma_wait3A_334 = arith.constant 0 : i32
    %dma_wait3A_335 = tpu.memref_slice %arg11[%dma_wait3A_333, %dma_wait3A_334] : memref<512x64xf32, #tpu.memory_space<vmem>> -> memref<128x64xf32, #tpu.memory_space<vmem>>
    %dma_wait3A_336 = arith.constant 0 : i32
    %dma_wait3A_337 = tpu.memref_slice %arg7[%add3A_110, %dma_wait3A_336] : memref<16384x192xf32, #tpu.memory_space<hbm>> -> memref<128x64xf32, #tpu.memory_space<hbm>>
    %dma_wait3A_338 = arith.constant 0 : i32
    %dma_wait3A_339 = tpu.memref_slice %arg7[%add3A_110, %dma_wait3A_338] : memref<16384x192xf32, #tpu.memory_space<hbm>> -> memref<128x64xf32, #tpu.memory_space<hbm>>
    %dma_wait3A_340 = arith.constant 0 : i32
    %dma_wait3A_341 = arith.constant 0 : i32
    %dma_wait3A_342 = tpu.memref_slice %arg11[%dma_wait3A_340, %dma_wait3A_341] : memref<512x64xf32, #tpu.memory_space<vmem>> -> memref<128x64xf32, #tpu.memory_space<vmem>>
    tpu.wait_dma2 semaphore(%arg19 : memref<!tpu.dma_semaphore, #tpu.memory_space<semaphore_mem>>) src(%dma_wait3A_342 : memref<128x64xf32, #tpu.memory_space<vmem>>) dst(%dma_wait3A_339 : memref<128x64xf32, #tpu.memory_space<hbm>>)
    %dma_wait3A_343 = arith.constant 0 : i32
    %dma_wait3A_344 = arith.constant 0 : i32
    %dma_wait3A_345 = tpu.memref_slice %arg12[%dma_wait3A_343, %dma_wait3A_344] : memref<512x64xf32, #tpu.memory_space<vmem>> -> memref<128x64xf32, #tpu.memory_space<vmem>>
    %dma_wait3A_346 = arith.constant 64 : i32
    %dma_wait3A_347 = tpu.memref_slice %arg7[%add3A_110, %dma_wait3A_346] : memref<16384x192xf32, #tpu.memory_space<hbm>> -> memref<128x64xf32, #tpu.memory_space<hbm>>
    %dma_wait3A_348 = arith.constant 64 : i32
    %dma_wait3A_349 = tpu.memref_slice %arg7[%add3A_110, %dma_wait3A_348] : memref<16384x192xf32, #tpu.memory_space<hbm>> -> memref<128x64xf32, #tpu.memory_space<hbm>>
    %dma_wait3A_350 = arith.constant 0 : i32
    %dma_wait3A_351 = arith.constant 0 : i32
    %dma_wait3A_352 = tpu.memref_slice %arg12[%dma_wait3A_350, %dma_wait3A_351] : memref<512x64xf32, #tpu.memory_space<vmem>> -> memref<128x64xf32, #tpu.memory_space<vmem>>
    tpu.wait_dma2 semaphore(%arg19 : memref<!tpu.dma_semaphore, #tpu.memory_space<semaphore_mem>>) src(%dma_wait3A_352 : memref<128x64xf32, #tpu.memory_space<vmem>>) dst(%dma_wait3A_349 : memref<128x64xf32, #tpu.memory_space<hbm>>)
    %dma_wait3A_353 = arith.constant 0 : i32
    %dma_wait3A_354 = arith.constant 0 : i32
    %dma_wait3A_355 = tpu.memref_slice %arg13[%dma_wait3A_353, %dma_wait3A_354] : memref<512x64xf32, #tpu.memory_space<vmem>> -> memref<128x64xf32, #tpu.memory_space<vmem>>
    %dma_wait3A_356 = arith.constant 128 : i32
    %dma_wait3A_357 = tpu.memref_slice %arg7[%add3A_110, %dma_wait3A_356] : memref<16384x192xf32, #tpu.memory_space<hbm>> -> memref<128x64xf32, #tpu.memory_space<hbm>>
    %dma_wait3A_358 = arith.constant 128 : i32
    %dma_wait3A_359 = tpu.memref_slice %arg7[%add3A_110, %dma_wait3A_358] : memref<16384x192xf32, #tpu.memory_space<hbm>> -> memref<128x64xf32, #tpu.memory_space<hbm>>
    %dma_wait3A_360 = arith.constant 0 : i32
    %dma_wait3A_361 = arith.constant 0 : i32
    %dma_wait3A_362 = tpu.memref_slice %arg13[%dma_wait3A_360, %dma_wait3A_361] : memref<512x64xf32, #tpu.memory_space<vmem>> -> memref<128x64xf32, #tpu.memory_space<vmem>>
    tpu.wait_dma2 semaphore(%arg19 : memref<!tpu.dma_semaphore, #tpu.memory_space<semaphore_mem>>) src(%dma_wait3A_362 : memref<128x64xf32, #tpu.memory_space<vmem>>) dst(%dma_wait3A_359 : memref<128x64xf32, #tpu.memory_space<hbm>>)
    %dma_wait3A_363 = arith.constant 128 : i32
    %dma_wait3A_364 = arith.constant 0 : i32
    %dma_wait3A_365 = tpu.memref_slice %arg11[%dma_wait3A_363, %dma_wait3A_364] : memref<512x64xf32, #tpu.memory_space<vmem>> -> memref<128x64xf32, #tpu.memory_space<vmem>>
    %dma_wait3A_366 = arith.constant 0 : i32
    %dma_wait3A_367 = tpu.memref_slice %arg7[%add3A_166, %dma_wait3A_366] : memref<16384x192xf32, #tpu.memory_space<hbm>> -> memref<128x64xf32, #tpu.memory_space<hbm>>
    %dma_wait3A_368 = arith.constant 0 : i32
    %dma_wait3A_369 = tpu.memref_slice %arg7[%add3A_166, %dma_wait3A_368] : memref<16384x192xf32, #tpu.memory_space<hbm>> -> memref<128x64xf32, #tpu.memory_space<hbm>>
    %dma_wait3A_370 = arith.constant 128 : i32
    %dma_wait3A_371 = arith.constant 0 : i32
    %dma_wait3A_372 = tpu.memref_slice %arg11[%dma_wait3A_370, %dma_wait3A_371] : memref<512x64xf32, #tpu.memory_space<vmem>> -> memref<128x64xf32, #tpu.memory_space<vmem>>
    tpu.wait_dma2 semaphore(%arg19 : memref<!tpu.dma_semaphore, #tpu.memory_space<semaphore_mem>>) src(%dma_wait3A_372 : memref<128x64xf32, #tpu.memory_space<vmem>>) dst(%dma_wait3A_369 : memref<128x64xf32, #tpu.memory_space<hbm>>)
    %dma_wait3A_373 = arith.constant 128 : i32
    %dma_wait3A_374 = arith.constant 0 : i32
    %dma_wait3A_375 = tpu.memref_slice %arg12[%dma_wait3A_373, %dma_wait3A_374] : memref<512x64xf32, #tpu.memory_space<vmem>> -> memref<128x64xf32, #tpu.memory_space<vmem>>
    %dma_wait3A_376 = arith.constant 64 : i32
    %dma_wait3A_377 = tpu.memref_slice %arg7[%add3A_166, %dma_wait3A_376] : memref<16384x192xf32, #tpu.memory_space<hbm>> -> memref<128x64xf32, #tpu.memory_space<hbm>>
    %dma_wait3A_378 = arith.constant 64 : i32
    %dma_wait3A_379 = tpu.memref_slice %arg7[%add3A_166, %dma_wait3A_378] : memref<16384x192xf32, #tpu.memory_space<hbm>> -> memref<128x64xf32, #tpu.memory_space<hbm>>
    %dma_wait3A_380 = arith.constant 128 : i32
    %dma_wait3A_381 = arith.constant 0 : i32
    %dma_wait3A_382 = tpu.memref_slice %arg12[%dma_wait3A_380, %dma_wait3A_381] : memref<512x64xf32, #tpu.memory_space<vmem>> -> memref<128x64xf32, #tpu.memory_space<vmem>>
    tpu.wait_dma2 semaphore(%arg19 : memref<!tpu.dma_semaphore, #tpu.memory_space<semaphore_mem>>) src(%dma_wait3A_382 : memref<128x64xf32, #tpu.memory_space<vmem>>) dst(%dma_wait3A_379 : memref<128x64xf32, #tpu.memory_space<hbm>>)
    %dma_wait3A_383 = arith.constant 128 : i32
    %dma_wait3A_384 = arith.constant 0 : i32
    %dma_wait3A_385 = tpu.memref_slice %arg13[%dma_wait3A_383, %dma_wait3A_384] : memref<512x64xf32, #tpu.memory_space<vmem>> -> memref<128x64xf32, #tpu.memory_space<vmem>>
    %dma_wait3A_386 = arith.constant 128 : i32
    %dma_wait3A_387 = tpu.memref_slice %arg7[%add3A_166, %dma_wait3A_386] : memref<16384x192xf32, #tpu.memory_space<hbm>> -> memref<128x64xf32, #tpu.memory_space<hbm>>
    %dma_wait3A_388 = arith.constant 128 : i32
    %dma_wait3A_389 = tpu.memref_slice %arg7[%add3A_166, %dma_wait3A_388] : memref<16384x192xf32, #tpu.memory_space<hbm>> -> memref<128x64xf32, #tpu.memory_space<hbm>>
    %dma_wait3A_390 = arith.constant 128 : i32
    %dma_wait3A_391 = arith.constant 0 : i32
    %dma_wait3A_392 = tpu.memref_slice %arg13[%dma_wait3A_390, %dma_wait3A_391] : memref<512x64xf32, #tpu.memory_space<vmem>> -> memref<128x64xf32, #tpu.memory_space<vmem>>
    tpu.wait_dma2 semaphore(%arg19 : memref<!tpu.dma_semaphore, #tpu.memory_space<semaphore_mem>>) src(%dma_wait3A_392 : memref<128x64xf32, #tpu.memory_space<vmem>>) dst(%dma_wait3A_389 : memref<128x64xf32, #tpu.memory_space<hbm>>)
    %dma_wait3A_393 = arith.constant 256 : i32
    %dma_wait3A_394 = arith.constant 0 : i32
    %dma_wait3A_395 = tpu.memref_slice %arg11[%dma_wait3A_393, %dma_wait3A_394] : memref<512x64xf32, #tpu.memory_space<vmem>> -> memref<128x64xf32, #tpu.memory_space<vmem>>
    %dma_wait3A_396 = arith.constant 0 : i32
    %dma_wait3A_397 = tpu.memref_slice %arg7[%add3A_222, %dma_wait3A_396] : memref<16384x192xf32, #tpu.memory_space<hbm>> -> memref<128x64xf32, #tpu.memory_space<hbm>>
    %dma_wait3A_398 = arith.constant 0 : i32
    %dma_wait3A_399 = tpu.memref_slice %arg7[%add3A_222, %dma_wait3A_398] : memref<16384x192xf32, #tpu.memory_space<hbm>> -> memref<128x64xf32, #tpu.memory_space<hbm>>
    %dma_wait3A_400 = arith.constant 256 : i32
    %dma_wait3A_401 = arith.constant 0 : i32
    %dma_wait3A_402 = tpu.memref_slice %arg11[%dma_wait3A_400, %dma_wait3A_401] : memref<512x64xf32, #tpu.memory_space<vmem>> -> memref<128x64xf32, #tpu.memory_space<vmem>>
    tpu.wait_dma2 semaphore(%arg19 : memref<!tpu.dma_semaphore, #tpu.memory_space<semaphore_mem>>) src(%dma_wait3A_402 : memref<128x64xf32, #tpu.memory_space<vmem>>) dst(%dma_wait3A_399 : memref<128x64xf32, #tpu.memory_space<hbm>>)
    %dma_wait3A_403 = arith.constant 256 : i32
    %dma_wait3A_404 = arith.constant 0 : i32
    %dma_wait3A_405 = tpu.memref_slice %arg12[%dma_wait3A_403, %dma_wait3A_404] : memref<512x64xf32, #tpu.memory_space<vmem>> -> memref<128x64xf32, #tpu.memory_space<vmem>>
    %dma_wait3A_406 = arith.constant 64 : i32
    %dma_wait3A_407 = tpu.memref_slice %arg7[%add3A_222, %dma_wait3A_406] : memref<16384x192xf32, #tpu.memory_space<hbm>> -> memref<128x64xf32, #tpu.memory_space<hbm>>
    %dma_wait3A_408 = arith.constant 64 : i32
    %dma_wait3A_409 = tpu.memref_slice %arg7[%add3A_222, %dma_wait3A_408] : memref<16384x192xf32, #tpu.memory_space<hbm>> -> memref<128x64xf32, #tpu.memory_space<hbm>>
    %dma_wait3A_410 = arith.constant 256 : i32
    %dma_wait3A_411 = arith.constant 0 : i32
    %dma_wait3A_412 = tpu.memref_slice %arg12[%dma_wait3A_410, %dma_wait3A_411] : memref<512x64xf32, #tpu.memory_space<vmem>> -> memref<128x64xf32, #tpu.memory_space<vmem>>
    tpu.wait_dma2 semaphore(%arg19 : memref<!tpu.dma_semaphore, #tpu.memory_space<semaphore_mem>>) src(%dma_wait3A_412 : memref<128x64xf32, #tpu.memory_space<vmem>>) dst(%dma_wait3A_409 : memref<128x64xf32, #tpu.memory_space<hbm>>)
    %dma_wait3A_413 = arith.constant 256 : i32
    %dma_wait3A_414 = arith.constant 0 : i32
    %dma_wait3A_415 = tpu.memref_slice %arg13[%dma_wait3A_413, %dma_wait3A_414] : memref<512x64xf32, #tpu.memory_space<vmem>> -> memref<128x64xf32, #tpu.memory_space<vmem>>
    %dma_wait3A_416 = arith.constant 128 : i32
    %dma_wait3A_417 = tpu.memref_slice %arg7[%add3A_222, %dma_wait3A_416] : memref<16384x192xf32, #tpu.memory_space<hbm>> -> memref<128x64xf32, #tpu.memory_space<hbm>>
    %dma_wait3A_418 = arith.constant 128 : i32
    %dma_wait3A_419 = tpu.memref_slice %arg7[%add3A_222, %dma_wait3A_418] : memref<16384x192xf32, #tpu.memory_space<hbm>> -> memref<128x64xf32, #tpu.memory_space<hbm>>
    %dma_wait3A_420 = arith.constant 256 : i32
    %dma_wait3A_421 = arith.constant 0 : i32
    %dma_wait3A_422 = tpu.memref_slice %arg13[%dma_wait3A_420, %dma_wait3A_421] : memref<512x64xf32, #tpu.memory_space<vmem>> -> memref<128x64xf32, #tpu.memory_space<vmem>>
    tpu.wait_dma2 semaphore(%arg19 : memref<!tpu.dma_semaphore, #tpu.memory_space<semaphore_mem>>) src(%dma_wait3A_422 : memref<128x64xf32, #tpu.memory_space<vmem>>) dst(%dma_wait3A_419 : memref<128x64xf32, #tpu.memory_space<hbm>>)
    %dma_wait3A_423 = arith.constant 384 : i32
    %dma_wait3A_424 = arith.constant 0 : i32
    %dma_wait3A_425 = tpu.memref_slice %arg11[%dma_wait3A_423, %dma_wait3A_424] : memref<512x64xf32, #tpu.memory_space<vmem>> -> memref<128x64xf32, #tpu.memory_space<vmem>>
    %dma_wait3A_426 = arith.constant 0 : i32
    %dma_wait3A_427 = tpu.memref_slice %arg7[%add3A_278, %dma_wait3A_426] : memref<16384x192xf32, #tpu.memory_space<hbm>> -> memref<128x64xf32, #tpu.memory_space<hbm>>
    %dma_wait3A_428 = arith.constant 0 : i32
    %dma_wait3A_429 = tpu.memref_slice %arg7[%add3A_278, %dma_wait3A_428] : memref<16384x192xf32, #tpu.memory_space<hbm>> -> memref<128x64xf32, #tpu.memory_space<hbm>>
    %dma_wait3A_430 = arith.constant 384 : i32
    %dma_wait3A_431 = arith.constant 0 : i32
    %dma_wait3A_432 = tpu.memref_slice %arg11[%dma_wait3A_430, %dma_wait3A_431] : memref<512x64xf32, #tpu.memory_space<vmem>> -> memref<128x64xf32, #tpu.memory_space<vmem>>
    tpu.wait_dma2 semaphore(%arg19 : memref<!tpu.dma_semaphore, #tpu.memory_space<semaphore_mem>>) src(%dma_wait3A_432 : memref<128x64xf32, #tpu.memory_space<vmem>>) dst(%dma_wait3A_429 : memref<128x64xf32, #tpu.memory_space<hbm>>)
    %dma_wait3A_433 = arith.constant 384 : i32
    %dma_wait3A_434 = arith.constant 0 : i32
    %dma_wait3A_435 = tpu.memref_slice %arg12[%dma_wait3A_433, %dma_wait3A_434] : memref<512x64xf32, #tpu.memory_space<vmem>> -> memref<128x64xf32, #tpu.memory_space<vmem>>
    %dma_wait3A_436 = arith.constant 64 : i32
    %dma_wait3A_437 = tpu.memref_slice %arg7[%add3A_278, %dma_wait3A_436] : memref<16384x192xf32, #tpu.memory_space<hbm>> -> memref<128x64xf32, #tpu.memory_space<hbm>>
    %dma_wait3A_438 = arith.constant 64 : i32
    %dma_wait3A_439 = tpu.memref_slice %arg7[%add3A_278, %dma_wait3A_438] : memref<16384x192xf32, #tpu.memory_space<hbm>> -> memref<128x64xf32, #tpu.memory_space<hbm>>
    %dma_wait3A_440 = arith.constant 384 : i32
    %dma_wait3A_441 = arith.constant 0 : i32
    %dma_wait3A_442 = tpu.memref_slice %arg12[%dma_wait3A_440, %dma_wait3A_441] : memref<512x64xf32, #tpu.memory_space<vmem>> -> memref<128x64xf32, #tpu.memory_space<vmem>>
    tpu.wait_dma2 semaphore(%arg19 : memref<!tpu.dma_semaphore, #tpu.memory_space<semaphore_mem>>) src(%dma_wait3A_442 : memref<128x64xf32, #tpu.memory_space<vmem>>) dst(%dma_wait3A_439 : memref<128x64xf32, #tpu.memory_space<hbm>>)
    %dma_wait3A_443 = arith.constant 384 : i32
    %dma_wait3A_444 = arith.constant 0 : i32
    %dma_wait3A_445 = tpu.memref_slice %arg13[%dma_wait3A_443, %dma_wait3A_444] : memref<512x64xf32, #tpu.memory_space<vmem>> -> memref<128x64xf32, #tpu.memory_space<vmem>>
    %dma_wait3A_446 = arith.constant 128 : i32
    %dma_wait3A_447 = tpu.memref_slice %arg7[%add3A_278, %dma_wait3A_446] : memref<16384x192xf32, #tpu.memory_space<hbm>> -> memref<128x64xf32, #tpu.memory_space<hbm>>
    %dma_wait3A_448 = arith.constant 128 : i32
    %dma_wait3A_449 = tpu.memref_slice %arg7[%add3A_278, %dma_wait3A_448] : memref<16384x192xf32, #tpu.memory_space<hbm>> -> memref<128x64xf32, #tpu.memory_space<hbm>>
    %dma_wait3A_450 = arith.constant 384 : i32
    %dma_wait3A_451 = arith.constant 0 : i32
    %dma_wait3A_452 = tpu.memref_slice %arg13[%dma_wait3A_450, %dma_wait3A_451] : memref<512x64xf32, #tpu.memory_space<vmem>> -> memref<128x64xf32, #tpu.memory_space<vmem>>
    tpu.wait_dma2 semaphore(%arg19 : memref<!tpu.dma_semaphore, #tpu.memory_space<semaphore_mem>>) src(%dma_wait3A_452 : memref<128x64xf32, #tpu.memory_space<vmem>>) dst(%dma_wait3A_449 : memref<128x64xf32, #tpu.memory_space<hbm>>)
    return
  }
}

</mosaic_0001>

<sc_bundles>
// kernel: kernel.3.cloned.1.call-start
scs
__scs_entry_jumppad:
0x0: {  	(pc) =	sbr.rel $0x88, $3  }
0x1: {  	(tag) =	ssettag $0x0;
	lr =	simm.s32 $0x1  }
0x2: {  	[smem:$0x3F9C] =	sst lr;
	_ =	strace $0xD0000000  }
0x3: {  	_ = 	snop  }
0x4: {  	_ = 	snop  }
0x5: {  	_ = 	snop  }
0x6: {  	_ = 	snop  }
0x7: {  	_ = 	snop  }
__scs_overlays_trampoline_lowered:
0x8: {  	[smem:$0x3FAB] =	sst s0  }
0x9: {  	[smem:$0x3FAC] =	sst s1  }
0xa: {  	[smem:$0x3FAD] =	sst s2  }
0xb: {  	[smem:$0x3FAE] =	sst s3  }
0xc: {  	[smem:$0x3FAF] =	sst s4  }
0xd: {  	[smem:$0x3FB0] =	sst s5  }
0xe: {  	[smem:$0x3FB1] =	sst s6  }
0xf: {  	[smem:$0x3FB2] =	sst s7  }
0x10: {  	[smem:$0x3FB3] =	sst s8  }
0x11: {  	[smem:$0x3FB4] =	sst s9;
	s0 =	simm.s32 @!p0 $0x0  }
0x12: {  	s1 =	sld [smem:$0x3F9A];
	s0 =	simm.s32 @p0 $0x1  }
0x13: {  	[smem:$0x3FB5] =	sst s0;
	s0 =	simm.s32 @!p1 $0x0  }
0x14: {  	s2 =	sld [smem:$0x3F99];
	s0 =	simm.s32 @p1 $0x1  }
0x15: {  	[smem:$0x3FB6] =	sst s0;
	s0 =	simm.s32 @!p2 $0x0  }
0x16: {  	s3 =	sld [smem:$0x3FDB];
	s0 =	simm.s32 @p2 $0x1  }
0x17: {  	s4 =	simm.s32 $0x1BF5;
	[smem:$0x3FB8] =	sst s0  }
0x18: {  	s0 =	sld [smem:$0x3F9B];
	_ =	swait.ge [sflag:s4], $0x0  }
0x19: {  	s7 =	sld [smem:$0x3F9C]  }
0x1a: {  	s8 =	sadd.s32 $0xFFFFE003, lr  }
0x1b: {  	s9 =	sadd.s32 $0xFFFFFEF7, lr;
	s5 =	simm.s32 $0xFFFFFFFF;
	p2 =	slt.u32 s8, $0xFFFFF086  }
0x1c: {  	p1 =	slt.u32 s9, $0xF7A;
	s5 =	simm.s32 @!p2 $0x0  }
0x1d: {  	s5 =	simm.s32 @p1 $0x1;
	p0 =	seq.s32 s7, s2  }
0x1e: {  	s7 =	smul.u32 @!p0 $0xF7A, s2;
	p2 =	seq.s32 @!p0 s5, $0x0  }
0x1f: {  	s9 =	smul.u32 $0xF7A, s1;
	s8 =	simm.s32 @!p0 $0x1BF5;
	p2 =	por !p2, p0  }
0x20: {  	[sflag:s8] =	ssyncset.s32 @!p0 $0xFFFFF086;
	s6 =	sadd.s32 @!p0 s3, s7;
	s7 =	simm.s32 @!p0 $0x108  }
0x21: {  	s3 =	sadd.s32 s3, s9;
	s6 =	sadd.s32 @!p0 $0x88, s6;
	s7 =	simm.s32 @p2 $0x1082  }
0x22: {  	[simem:s7], [sflag:s8] =	dma.local @!p0 [hbm:s6], $0xF7A  }
0x23: {  	s9 =	sor.u32 $0xD0000000, s2;
	s6 =	simm.s32 $0x108;
	_ =	swait.ge @!p0 [sflag:s8], $0x0  }
0x24: {  	s3 =	sadd.s32 $0x88, s3;
	s6 =	simm.s32 @!p1 $0x1082;
	[sflag:s4] =	ssyncset.s32 $0xFFFFF086  }
0x25: {  	[simem:s6], [sflag:s4] =	dma.local [hbm:s3], $0xF7A  }
0x26: {  	[smem:$0x3F9C] =	sst s1;
	(tag) =	ssettag s2;
	_ =	strace s9  }
0x27: {  	s1 =	sld [smem:$0x3FAC]  }
0x28: {  	s2 =	sld [smem:$0x3FAD]  }
0x29: {  	s4 =	sld [smem:$0x3FAF]  }
0x2a: {  	p0 =	seq.s32 s5, $0x0;
	s5 =	sld [smem:$0x3FB0]  }
0x2b: {  	s6 =	sld [smem:$0x3FB1]  }
0x2c: {  	s7 =	sld [smem:$0x3FB2]  }
0x2d: {  	s3 =	simm.s32 $0x108;
	s8 =	sld [smem:$0x3FB3]  }
0x2e: {  	s3 =	simm.s32 @!p0 $0x1082;
	s9 =	sld [smem:$0x3FB4]  }
0x2f: {  	lr =	sadd.s32 s0, s3;
	s0 =	sld [smem:$0x3FAB]  }
0x30: {  	s3 =	sld [smem:$0x3FAE]  }
0x31: {  	[smem:$0x3FB7] =	sst s10  }
0x32: {  	s10 =	sld [smem:$0x3FB5];
	_ =	sdelay $0x3  }
0x33: {  	p0 =	seq.s32 s10, $0x1;
	s10 =	sld [smem:$0x3FB7];
	_ =	sdelay $0x3  }
0x34: {  	[smem:$0x3FB7] =	sst s10  }
0x35: {  	s10 =	sld [smem:$0x3FB6];
	_ =	sdelay $0x3  }
0x36: {  	p1 =	seq.s32 s10, $0x1;
	s10 =	sld [smem:$0x3FB7];
	_ =	sdelay $0x3  }
0x37: {  	[smem:$0x3FB7] =	sst s10  }
0x38: {  	s10 =	sld [smem:$0x3FB8]  }
0x39: {  	_ = 	snop;
	(pc) =	sbr.ind lr, $3  }
0x3a: {  	_ = 	snop  }
0x3b: {  	_ = 	snop  }
0x3c: {  	p2 =	seq.s32 s10, $0x1;
	s10 =	sld [smem:$0x3FB7]  }
0x3d: {  	_ =	shalt  }
0x3e: {  	_ =	shalt  }
0x3f: {  	_ =	shalt  }
0x40: {  	_ =	shalt  }
0x41: {  	_ =	shalt  }
0x42: {  	_ =	shalt  }
0x43: {  	_ =	shalt  }
0x44: {  	_ =	shalt  }
0x45: {  	_ =	shalt  }
0x46: {  	_ =	shalt  }
0x47: {  	_ =	shalt  }
0x48: {  	_ =	shalt  }
0x49: {  	_ =	shalt  }
0x4a: {  	_ =	shalt  }
0x4b: {  	_ =	shalt  }
0x4c: {  	_ =	shalt  }
0x4d: {  	_ =	shalt  }
0x4e: {  	_ =	shalt  }
0x4f: {  	_ =	shalt  }
0x50: {  	_ =	shalt  }
0x51: {  	_ =	shalt  }
0x52: {  	_ =	shalt  }
0x53: {  	_ =	shalt  }
0x54: {  	_ =	shalt  }
0x55: {  	_ =	shalt  }
0x56: {  	_ =	shalt  }
0x57: {  	_ =	shalt  }
0x58: {  	_ =	shalt  }
0x59: {  	_ =	shalt  }
0x5a: {  	_ =	shalt  }
0x5b: {  	_ =	shalt  }
0x5c: {  	_ =	shalt  }
0x5d: {  	_ =	shalt  }
0x5e: {  	_ =	shalt  }
0x5f: {  	_ =	shalt  }
0x60: {  	_ =	shalt  }
0x61: {  	_ =	shalt  }
0x62: {  	_ =	shalt  }
0x63: {  	_ =	shalt  }
0x64: {  	_ =	shalt  }
0x65: {  	_ =	shalt  }
0x66: {  	_ =	shalt  }
0x67: {  	_ =	shalt  }
0x68: {  	_ =	shalt  }
0x69: {  	_ =	shalt  }
0x6a: {  	_ =	shalt  }
0x6b: {  	_ =	shalt  }
0x6c: {  	_ =	shalt  }
0x6d: {  	_ =	shalt  }
0x6e: {  	_ =	shalt  }
0x6f: {  	_ =	shalt  }
0x70: {  	_ =	shalt  }
0x71: {  	_ =	shalt  }
0x72: {  	_ =	shalt  }
0x73: {  	_ =	shalt  }
0x74: {  	_ =	shalt  }
0x75: {  	_ =	shalt  }
0x76: {  	_ =	shalt  }
0x77: {  	_ =	shalt  }
0x78: {  	_ =	shalt  }
0x79: {  	_ =	shalt  }
0x7a: {  	_ =	shalt  }
0x7b: {  	_ =	shalt  }
0x7c: {  	_ =	shalt  }
0x7d: {  	_ =	shalt  }
0x7e: {  	_ =	shalt  }
0x7f: {  	_ =	shalt  }
0x80: {  	_ =	shalt  }
0x81: {  	_ =	shalt  }
0x82: {  	_ =	shalt  }
0x83: {  	_ =	shalt  }
0x84: {  	_ =	shalt  }
0x85: {  	_ =	shalt  }
0x86: {  	_ =	shalt  }
0x87: {  	_ =	shalt  }
.Lfunc_end0:
.L_simem_size_0:
called_computation_lowered:
.L_overlay_start_0:
0x88: {  	s2 =	sld [smem:$0x3FD9]  }
0x89: {  	s3 =	sld [smem:$0x3FFE];
	_ =	sdelay $0x1  }
0x8a: {  	s1 =	srdreg.scid  }
0x8b: {  	s0 =	sand.u32 $0x1, s1  }
0x8c: {  	s17 =	sshll.u32 s0, $0xA;
	s2 =	sadd.s32 s3, s2  }
0x8d: {  	s2 =	sadd.s32 s2, s17  }
0x8e: {  	[smem:$0x3FC3] =	sst s2  }
0x8f: {  	_ = 	snop  }
0x90: {  	s2 =	sld [smem:$0x3FC7]  }
0x91: {  	s18 =	sld [smem:$0x3FC6]  }
0x92: {  	s4 =	sld [smem:$0x3FC5]  }
0x93: {  	s5 =	sld [smem:$0x3FD0];
	(tm) =	ssettm $0x1  }
0x94: {  	s6 =	sld [smem:$0x3FFB];
	_ =	sdelay $0x3  }
0x95: {  	_ =	strace s6  }
0x96: {  	s6 =	sld [smem:$0x3FFC];
	_ =	sdelay $0x3  }
0x97: {  	_ =	strace s6  }
0x98: {  	s6 =	sld [smem:$0x3FFD];
	_ =	sdelay $0x3  }
0x99: {  	_ =	strace s6  }
0x9a: {  	_ =	strace $0x8FFFFFFF  }
0x9b: {  	s19 =	sld [smem:$0x3FDB];
	_ =	sdelay $0x1  }
0x9c: {  	s7 =	simm.s32 $_scs_section_size  }
0x9d: {  	s8 =	simm.s32 $_size__tile_overlayer_lowered;
	s9 =	simm.s32 $_tile_overlayer_lowered  }
0x9e: {  	s22 =	simm.s32 $0x1BFF;
	s21 =	sshll.u32 s9, $0x1;
	s6 =	sadd.s32 s7, s19  }
0x9f: {  	s10 =	simm.s32 $0x0;
	s20 =	sshll.u32 s8, $0x1;
	s8 =	sadd.s32 s21, s6  }
0xa0: {  	[timem:s10], [sflag:s22] =	dma.local [hbm:s8], s20  }
0xa1: {  	_ =	swait.ge [sflag:s22], s20  }
0xa2: {  	s7 =	ssub.s32 $0x0, s20;
	[sflag:s22] =	ssyncset.done $0x0  }
0xa3: {  	[sflag:s22] =	ssyncadd.s32 s7;
	_ =	sdelay $0x1  }
0xa4: {  	s23 =	simm.s32 $0x1B8B  }
0xa5: {  	_ =	swait.ge [sflag:s23], $0x1  }
0xa6: {  	[sflag:s23] =	ssyncset.done $0x0  }
0xa7: {  	s25 =	simm.s32 $0x1B8E;
	s24 =	sld [smem:$0x3FFE];
	[sflag:s23] =	ssyncadd.s32 $0xFFFFFFFF  }
0xa8: {  	s26 =	simm.s32 $execute0_lowered;
	[smem:$0x3FD2] =	sst s25  }
0xa9: {  	s8 =	sshll.u32 s26, $0x1;
	_ =	strace $0x80000046;
	[dreg:$0x1] =	wrdreg $0xFFFFFFFF  }
0xaa: {  	s28 =	simm.s32 $_size_execute0_lowered;
	s6 =	sadd.s32 s6, s8;
	[dreg:$0x0] =	wrdreg $0x0  }
0xab: {  	s8 =	sshll.u32 s28, $0x1;
	[dreg:$0x2] =	wrdreg s6  }
0xac: {  	[dreg:$0x3] =	wrdreg s8  }
0xad: {  	[dreg:$0x4] =	wrdreg $0xC0  }
0xae: {  	_ =	task [dreg:s10], $0x5FFFF  }
0xaf: {  	[dreg:$0x1] =	wrdreg $0xFFFFFFFF  }
0xb0: {  	[dreg:$0x0] =	wrdreg $0x60  }
0xb1: {  	[dreg:$0x2] =	wrdreg s24  }
0xb2: {  	[dreg:$0x3] =	wrdreg s2  }
0xb3: {  	[dreg:$0x4] =	wrdreg s18  }
0xb4: {  	[dreg:$0x5] =	wrdreg s4  }
0xb5: {  	[dreg:$0x6] =	wrdreg s5  }
0xb6: {  	[dreg:$0x7] =	wrdreg $0x9  }
0xb7: {  	_ =	task.clear_ibuf [dreg:s10], $0x8FFFF;
	_ =	strace $0x90000046  }
0xb8: {  	s29 =	simm.s32 $0x9;
	_ =	strace $0x80000048  }
0xb9: {  	_ =	swait.ge [sflag:s29], $0x1  }
0xba: {  	[sflag:s29] =	ssyncadd.s32 $0xFFFFFFFF  }
0xbb: {  	_ =	strace $0x90000048  }
0xbc: {  	_ =	sfence  }
0xbd: {  	s30 =	sld [smem:$0x0];
	_ =	sdelay $0x2  }
0xbe: {  	s31 =	sshll.u32 s1, $0xD;
	s1 =	sshrl.u32 s1, $0x2  }
0xbf: {  	s3 =	sand.u32 $0x4000, s31;
	s1 =	sadd.s32 s1, s30  }
0xc0: {  	s0 =	sor.u32 s3, s0;
	s1 =	sshll.u32 s1, $0x11  }
0xc1: {  	s0 =	sor.u32 s1, s0  }
0xc2: {  	s0 =	sadd.s32 $0x8F2B, s0  }
0xc3: {  	[sflag:s0] =	ssyncadd.remote.s32 $0x1  }
0xc4: {  	_ =	sfence.sel $0xFFFF  }
0xc5: {  	[dreg:$0x0] =	wrdreg $0xFFFFFFFF;
	(pc) =	sbr.abs _section_cstart, $3  }
0xc6: {  	[dreg:$0x1] =	wrdreg $0xFFFFFFFF  }
0xc7: {  	_ =	task.clear_ibuf [dreg:s10], $0x2FFFF;
	_ =	strace $0x9FFFFFFF  }
0xc8: {  	(tm) =	ssettm $0x7FFFFFFF  }
0xc9: {  	_ =	shalt  }
tec
execute0_lowered:
.L_overlay_start_1:
0x0: {  	(tag) =	ssettag $0x1  }
0x1: {  	s0 =	rddreg [dreg:$0x0]  }
0x2: {  	s1 =	rddreg [dreg:$0x1]  }
0x3: {  	s2 =	rddreg [dreg:$0x2];
	s3 =	srdreg.scid  }
0x4: {  	s4 =	rddreg [dreg:$0x3];
	s6 =	stileid.u32  }
0x5: {  	s15 =	rddreg [dreg:$0x4];
	s7 =	simm.s32 $0x0;
	s28 =	simm.s32 $0x5  }
0x6: {  	s10 =	simm.s32 $0x280;
	s13 =	simm.s32 $0x2600;
	s11 =	simm.s32 $0x480  }
0x7: {  	s14 =	simm.s32 $0xA600;
	s12 =	simm.s32 $0x100;
	s31 =	simm.s32 $0x580  }
0x8: {  	s5 =	sand.u32 $0x1, s3;
	s6 =	sshll.u32 s6, $0xA;
	[smem:$0x7FF] =	sst s7  }
0x9: {  	s8 =	sshll.u32 s5, $0x9;
	_ =	strace $0x80000047;
	[dreg:$0x14] =	wrdreg s10  }
0xa: {  	s29 =	simm.s32 $0x1;
	[dreg:$0x15] =	wrdreg s11;
	s6 =	sor.u32 s8, s6  }
0xb: {  	p0 =	por $0x0, $0x0;
	[dreg:$0x16] =	wrdreg s12;
	s8 =	sshrl.u32 s6, $0x3  }
0xc: {  	s11 =	simm.s32 $0xC600;
	s6 =	smul.u32 $0xC0, s6;
	s1 =	sadd.s32 s1, s8  }
0xd: {  	s12 =	simm.s32 $0x14600;
	s16 =	sadd.s32 s2, s8;
	[dreg:$0x6] =	wrdreg s1  }
0xe: {  	s18 =	sadd.s32 s4, s8;
	s17 =	sshrl.u32 s6, $0x3;
	[dreg:$0x7] =	wrdreg s16  }
0xf: {  	[dreg:$0x8] =	wrdreg s18;
	s3 =	sadd.s32 s15, s17;
	s15 =	simm.s32 $0x300  }
0x10: {  	s10 =	simm.s32 $0xC0;
	s19 =	sadd.s32 $0x8, s3;
	[dreg:$0x17] =	wrdreg s15  }
0x11: {  	s4 =	ssub.s32 $0x2, s5;
	s20 =	sadd.s32 $0x10, s3;
	[dreg:$0x9] =	wrdreg s19  }
0x12: {  	s6 =	sshrl.u32 s4, $0x1;
	s21 =	sadd.s32 $0xC00, s3;
	[dreg:$0xa] =	wrdreg s20  }
0x13: {  	s18 =	simm.s32 $0x8600;
	s22 =	sadd.s32 $0xC08, s3;
	[dreg:$0xb] =	wrdreg s21  }
0x14: {  	s16 =	simm.s32 $0x12600;
	s23 =	sadd.s32 $0xC10, s3;
	[dreg:$0xc] =	wrdreg s22  }
0x15: {  	s17 =	sadd.s32 $0x187000, s0;
	s24 =	sadd.s32 $0x1800, s3;
	[dreg:$0xd] =	wrdreg s23  }
0x16: {  	s9 =	ssub.s32 s4, s6;
	s25 =	sadd.s32 $0x1808, s3;
	[dreg:$0xe] =	wrdreg s24  }
0x17: {  	s4 =	simm.s32 $0x6600;
	s26 =	sadd.s32 $0x1810, s3;
	[dreg:$0xf] =	wrdreg s25  }
0x18: {  	s6 =	simm.s32 $0x16600;
	s2 =	sadd.s32 $0x2400, s3;
	[dreg:$0x10] =	wrdreg s26  }
0x19: {  	s5 =	sadd.s32 $0x2408, s3;
	s8 =	sadd.s32 $0x2410, s3;
	[dreg:$0x11] =	wrdreg s2  }
0x1a: {  	s15 =	simm.s32 $0x4;
	[dreg:$0x12] =	wrdreg s5;
	s21 =	sadd.s32 $0x600, s0  }
0x1b: {  	[dreg:$0x13] =	wrdreg s8;
	s0 =	smax.u32 s9, $0x1;
	s25 =	simm.s32 $0x200  }
0x1c: {  	s26 =	simm.s32 $0x400;
	s23 =	simm.s32 $0x80;
	p1 =	sne.s32 s0, $0x1  }
.Ltmp0:
0x1d: {  	s20 =	simm.s32 $0x600;
	s19 =	simm.s32 $0x10600;
	(pc) =	sbr.rel @!p1 .LBB2_1-.Ltmp0, $4  }
0x1e: {  	s9 =	simm.s32 $0x4600;
	s22 =	simm.s32 $0x500;
	s24 =	simm.s32 $0x180  }
0x1f: {  	s5 =	simm.s32 $0xE600;
	s8 =	simm.s32 $0x40;
	[dreg:$0x18] =	wrdreg s22  }
0x20: {  	s2 =	simm.s32 $0x6;
	[dreg:$0x19] =	wrdreg s24;
	s30 =	sadd.s32 $0xFFFFFFFF, s0  }
0x21: {  	s24 =	simm.s32 $0x2;
	s22 =	simm.s32 $0x3;
	s0 =	rddreg [dreg:$0x6]  }
0x22: {  	[tilespmem:s7], [sflag:$0x5] =	stream.linear.gather [hbm4b:s0+s7], $0x200, $0x38;
	[tilespmem:$0x18600] =	vst v63  }
0x23: {  	s1 =	rddreg [dreg:$0x7]  }
0x24: {  	[tilespmem:s25], [sflag:$0x5] =	stream.linear.gather [hbm4b:s1+s7], $0x200, $0x38;
	[tilespmem:$0x18600] =	vst v63  }
0x25: {  	s0 =	rddreg [dreg:$0x8]  }
0x26: {  	[tilespmem:s26], [sflag:$0x5] =	stream.linear.gather [hbm4b:s0+s7], $0x200, $0x38;
	[tilespmem:$0x18600] =	vst v63  }
0x27: {  	_ =	swait.ge [sflag:s28], $0x200  }
0x28: {  	[sflag:s28] =	ssyncset.done $0x0  }
0x29: {  	[sflag:s28] =	ssyncadd.s32 $0xFFFFFE00  }
0x2a: {  	_ =	swait.ge [sflag:s28], $0x200  }
0x2b: {  	[sflag:s28] =	ssyncset.done $0x0  }
0x2c: {  	[sflag:s28] =	ssyncadd.s32 $0xFFFFFE00  }
0x2d: {  	_ =	swait.ge [sflag:s28], $0x200  }
0x2e: {  	[sflag:s28] =	ssyncset.done $0x0  }
0x2f: {  	[sflag:s28] =	ssyncadd.s32 $0xFFFFFE00  }
0x30: {  	[tilespmem:s20], [sflag:$0x1] =	stream.indirect.gather [hbm4b:s17+s23], $0x40, s7, s23, $0xb8;
	[tilespmem:$0x18600] =	vst v63  }
0x31: {  	_ = 	snop  }
0x32: {  	[tilespmem:s18], [sflag:$0x1] =	stream.indirect.gather [hbm4b:s21+s23], $0x40, s25, s23, $0xb8;
	[tilespmem:$0x18600] =	vst v63  }
0x33: {  	_ = 	snop  }
0x34: {  	[tilespmem:s19], [sflag:$0x1] =	stream.indirect.gather [hbm4b:s17+s23], $0x40, s26, s23, $0xb8;
	[tilespmem:$0x18600] =	vst v63  }
0x35: {  	_ = 	snop  }
0x36: {  	[tilespmem:s13], [sflag:$0x2] =	stream.indirect.gather [hbm4b:s17+s23], $0x40, s23, s23, $0xb8;
	[tilespmem:$0x18600] =	vst v63  }
0x37: {  	s0 =	rddreg [dreg:$0x14]  }
0x38: {  	[tilespmem:s14], [sflag:$0x2] =	stream.indirect.gather [hbm4b:s21+s23], $0x40, s0, s23, $0xb8;
	[tilespmem:$0x18600] =	vst v63  }
0x39: {  	s1 =	rddreg [dreg:$0x15]  }
0x3a: {  	[tilespmem:s16], [sflag:$0x2] =	stream.indirect.gather [hbm4b:s17+s23], $0x40, s1, s23, $0xb8;
	[tilespmem:$0x18600] =	vst v63  }
0x3b: {  	s0 =	rddreg [dreg:$0x16]  }
0x3c: {  	[tilespmem:s9], [sflag:$0x3] =	stream.indirect.gather [hbm4b:s17+s23], $0x40, s0, s23, $0xb8;
	[tilespmem:$0x18600] =	vst v63  }
0x3d: {  	s1 =	rddreg [dreg:$0x17]  }
0x3e: {  	[tilespmem:s11], [sflag:$0x3] =	stream.indirect.gather [hbm4b:s21+s23], $0x40, s1, s23, $0xb8;
	[tilespmem:$0x18600] =	vst v63  }
0x3f: {  	s0 =	rddreg [dreg:$0x18]  }
0x40: {  	[tilespmem:s12], [sflag:$0x3] =	stream.indirect.gather [hbm4b:s17+s23], $0x40, s0, s23, $0xb8;
	[tilespmem:$0x18600] =	vst v63  }
0x41: {  	s1 =	rddreg [dreg:$0x19]  }
0x42: {  	[tilespmem:s4], [sflag:$0x4] =	stream.indirect.gather [hbm4b:s17+s23], $0x40, s1, s23, $0xb8;
	[tilespmem:$0x18600] =	vst v63  }
0x43: {  	s1 =	simm.s32 $0x380  }
0x44: {  	[tilespmem:s5], [sflag:$0x4] =	stream.indirect.gather [hbm4b:s21+s23], $0x40, s1, s23, $0xb8;
	[tilespmem:$0x18600] =	vst v63  }
0x45: {  	_ = 	snop  }
0x46: {  	[tilespmem:s6], [sflag:$0x4] =	stream.indirect.gather [hbm4b:s17+s23], $0x40, s31, s23, $0xb8;
	[tilespmem:$0x18600] =	vst v63  }
0x47: {  	_ =	swait.ge [sflag:s29], $0x2000  }
0x48: {  	[sflag:s29] =	ssyncset.done $0x0  }
0x49: {  	[sflag:s29] =	ssyncadd.s32 $0xFFFFE000  }
0x4a: {  	_ =	swait.ge [sflag:s29], $0x2000  }
0x4b: {  	[sflag:s29] =	ssyncset.done $0x0  }
0x4c: {  	[sflag:s29] =	ssyncadd.s32 $0xFFFFE000  }
0x4d: {  	_ =	swait.ge [sflag:s29], $0x2000  }
0x4e: {  	[sflag:s29] =	ssyncset.done $0x0  }
0x4f: {  	[sflag:s29] =	ssyncadd.s32 $0xFFFFE000  }
0x50: {  	[hbm4b:s3+s8] =	stream.strided.scatter [tilespmem:s20], [sflag:$0x6], $0x2000, s10, s8, $0x38;
	[tilespmem:$0x18600] =	vst v63  }
0x51: {  	s0 =	rddreg [dreg:$0x9]  }
0x52: {  	[hbm4b:s0+s8] =	stream.strided.scatter [tilespmem:s18], [sflag:$0x6], $0x2000, s10, s8, $0x38;
	[tilespmem:$0x18600] =	vst v63  }
0x53: {  	s1 =	rddreg [dreg:$0xa]  }
0x54: {  	[hbm4b:s1+s8] =	stream.strided.scatter [tilespmem:s19], [sflag:$0x6], $0x2000, s10, s8, $0x38;
	[tilespmem:$0x18600] =	vst v63  }
0x55: {  	_ =	swait.ge [sflag:s24], $0x2000  }
0x56: {  	[sflag:s24] =	ssyncset.done $0x0  }
0x57: {  	[sflag:s24] =	ssyncadd.s32 $0xFFFFE000  }
0x58: {  	_ =	swait.ge [sflag:s24], $0x2000  }
0x59: {  	[sflag:s24] =	ssyncset.done $0x0  }
0x5a: {  	[sflag:s24] =	ssyncadd.s32 $0xFFFFE000  }
0x5b: {  	_ =	swait.ge [sflag:s24], $0x2000  }
0x5c: {  	[sflag:s24] =	ssyncset.done $0x0  }
0x5d: {  	s0 =	rddreg [dreg:$0xb];
	[sflag:s24] =	ssyncadd.s32 $0xFFFFE000  }
0x5e: {  	[hbm4b:s0+s8] =	stream.strided.scatter [tilespmem:s13], [sflag:$0x6], $0x2000, s10, s8, $0x38;
	[tilespmem:$0x18600] =	vst v63  }
0x5f: {  	s1 =	rddreg [dreg:$0xc]  }
0x60: {  	[hbm4b:s1+s8] =	stream.strided.scatter [tilespmem:s14], [sflag:$0x6], $0x2000, s10, s8, $0x38;
	[tilespmem:$0x18600] =	vst v63  }
0x61: {  	s0 =	rddreg [dreg:$0xd]  }
0x62: {  	[hbm4b:s0+s8] =	stream.strided.scatter [tilespmem:s16], [sflag:$0x6], $0x2000, s10, s8, $0x38;
	[tilespmem:$0x18600] =	vst v63  }
0x63: {  	_ =	swait.ge [sflag:s22], $0x2000  }
0x64: {  	[sflag:s22] =	ssyncset.done $0x0  }
0x65: {  	[sflag:s22] =	ssyncadd.s32 $0xFFFFE000  }
0x66: {  	_ =	swait.ge [sflag:s22], $0x2000  }
0x67: {  	[sflag:s22] =	ssyncset.done $0x0  }
0x68: {  	[sflag:s22] =	ssyncadd.s32 $0xFFFFE000  }
0x69: {  	_ =	swait.ge [sflag:s22], $0x2000  }
0x6a: {  	[sflag:s22] =	ssyncset.done $0x0  }
0x6b: {  	s0 =	rddreg [dreg:$0xe];
	[sflag:s22] =	ssyncadd.s32 $0xFFFFE000  }
0x6c: {  	[hbm4b:s0+s8] =	stream.strided.scatter [tilespmem:s9], [sflag:$0x6], $0x2000, s10, s8, $0x38;
	[tilespmem:$0x18600] =	vst v63  }
0x6d: {  	s1 =	rddreg [dreg:$0xf]  }
0x6e: {  	[hbm4b:s1+s8] =	stream.strided.scatter [tilespmem:s11], [sflag:$0x6], $0x2000, s10, s8, $0x38;
	[tilespmem:$0x18600] =	vst v63  }
0x6f: {  	s0 =	rddreg [dreg:$0x10]  }
0x70: {  	[hbm4b:s0+s8] =	stream.strided.scatter [tilespmem:s12], [sflag:$0x6], $0x2000, s10, s8, $0x38;
	[tilespmem:$0x18600] =	vst v63  }
0x71: {  	_ =	swait.ge [sflag:s15], $0x2000  }
0x72: {  	[sflag:s15] =	ssyncset.done $0x0  }
0x73: {  	[sflag:s15] =	ssyncadd.s32 $0xFFFFE000  }
0x74: {  	_ =	swait.ge [sflag:s15], $0x2000  }
0x75: {  	[sflag:s15] =	ssyncset.done $0x0  }
0x76: {  	[sflag:s15] =	ssyncadd.s32 $0xFFFFE000  }
0x77: {  	_ =	swait.ge [sflag:s15], $0x2000  }
0x78: {  	[sflag:s15] =	ssyncset.done $0x0  }
0x79: {  	s0 =	rddreg [dreg:$0x11];
	[sflag:s15] =	ssyncadd.s32 $0xFFFFE000  }
0x7a: {  	[hbm4b:s0+s8] =	stream.strided.scatter [tilespmem:s4], [sflag:$0x6], $0x2000, s10, s8, $0x38;
	[tilespmem:$0x18600] =	vst v63  }
0x7b: {  	s1 =	rddreg [dreg:$0x12]  }
0x7c: {  	[hbm4b:s1+s8] =	stream.strided.scatter [tilespmem:s5], [sflag:$0x6], $0x2000, s10, s8, $0x38;
	[tilespmem:$0x18600] =	vst v63  }
0x7d: {  	s0 =	rddreg [dreg:$0x13]  }
0x7e: {  	[hbm4b:s0+s8] =	stream.strided.scatter [tilespmem:s6], [sflag:$0x6], $0x2000, s10, s8, $0x38;
	[tilespmem:$0x18600] =	vst v63  }
0x7f: {  	_ =	swait.ge [sflag:s2], $0x2000  }
0x80: {  	[sflag:s2] =	ssyncset.done $0x0  }
0x81: {  	[sflag:s2] =	ssyncadd.s32 $0xFFFFE000  }
0x82: {  	_ =	swait.ge [sflag:s2], $0x2000  }
0x83: {  	[sflag:s2] =	ssyncset.done $0x0  }
0x84: {  	[sflag:s2] =	ssyncadd.s32 $0xFFFFE000  }
0x85: {  	_ =	swait.ge [sflag:s2], $0x2000  }
0x86: {  	[sflag:s2] =	ssyncset.done $0x0  }
0x87: {  	[sflag:s2] =	ssyncadd.s32 $0xFFFFE000  }
0x88: {  	_ =	swait.ge [sflag:s2], $0x2000  }
0x89: {  	[sflag:s2] =	ssyncset.done $0x0  }
0x8a: {  	[sflag:s2] =	ssyncadd.s32 $0xFFFFE000  }
0x8b: {  	_ =	swait.ge [sflag:s2], $0x2000  }
0x8c: {  	[sflag:s2] =	ssyncset.done $0x0  }
0x8d: {  	[sflag:s2] =	ssyncadd.s32 $0xFFFFE000  }
0x8e: {  	_ =	swait.ge [sflag:s2], $0x2000  }
0x8f: {  	[sflag:s2] =	ssyncset.done $0x0  }
0x90: {  	[sflag:s2] =	ssyncadd.s32 $0xFFFFE000  }
0x91: {  	_ =	swait.ge [sflag:s2], $0x2000  }
0x92: {  	[sflag:s2] =	ssyncset.done $0x0  }
0x93: {  	[sflag:s2] =	ssyncadd.s32 $0xFFFFE000  }
0x94: {  	_ =	swait.ge [sflag:s2], $0x2000  }
0x95: {  	[sflag:s2] =	ssyncset.done $0x0  }
0x96: {  	[sflag:s2] =	ssyncadd.s32 $0xFFFFE000  }
0x97: {  	_ =	swait.ge [sflag:s2], $0x2000  }
0x98: {  	[sflag:s2] =	ssyncset.done $0x0  }
0x99: {  	[sflag:s2] =	ssyncadd.s32 $0xFFFFE000  }
0x9a: {  	_ =	swait.ge [sflag:s2], $0x2000  }
0x9b: {  	[sflag:s2] =	ssyncset.done $0x0  }
0x9c: {  	p1 =	sne.s32 s30, $0x1;
	[sflag:s2] =	ssyncadd.s32 $0xFFFFE000  }
.Ltmp1:
0x9d: {  	_ =	swait.ge [sflag:s2], $0x2000;
	(pc) =	sbr.rel @!p1 .LBB2_3-.Ltmp1, $4  }
0x9e: {  	[sflag:s2] =	ssyncset.done $0x0  }
0x9f: {  	[sflag:s2] =	ssyncadd.s32 $0xFFFFE000  }
0xa0: {  	p0 =	por $0x1, $0x1;
	_ =	swait.ge [sflag:s2], $0x2000  }
0xa1: {  	s1 =	sadd.s32 $0xFFFFFFFF, s30;
	s0 =	rddreg [dreg:$0x6];
	[sflag:s2] =	ssyncset.done $0x0  }
.LBB2_4:
0xa2: {  	[sflag:s2] =	ssyncadd.s32 $0xFFFFE000  }
0xa3: {  	[tilespmem:s7], [sflag:$0x5] =	stream.linear.gather [hbm4b:s0+s7], $0x200, $0x38;
	[tilespmem:$0x18600] =	vst v63  }
0xa4: {  	s30 =	rddreg [dreg:$0x7]  }
0xa5: {  	[tilespmem:s25], [sflag:$0x5] =	stream.linear.gather [hbm4b:s30+s7], $0x200, $0x38;
	[tilespmem:$0x18600] =	vst v63  }
0xa6: {  	s0 =	rddreg [dreg:$0x8]  }
0xa7: {  	[tilespmem:s26], [sflag:$0x5] =	stream.linear.gather [hbm4b:s0+s7], $0x200, $0x38;
	[tilespmem:$0x18600] =	vst v63  }
0xa8: {  	_ =	swait.ge [sflag:s28], $0x200  }
0xa9: {  	[sflag:s28] =	ssyncset.done $0x0  }
0xaa: {  	[sflag:s28] =	ssyncadd.s32 $0xFFFFFE00  }
0xab: {  	_ =	swait.ge [sflag:s28], $0x200  }
0xac: {  	[sflag:s28] =	ssyncset.done $0x0  }
0xad: {  	[sflag:s28] =	ssyncadd.s32 $0xFFFFFE00  }
0xae: {  	_ =	swait.ge [sflag:s28], $0x200  }
0xaf: {  	[sflag:s28] =	ssyncset.done $0x0  }
0xb0: {  	[sflag:s28] =	ssyncadd.s32 $0xFFFFFE00  }
0xb1: {  	[tilespmem:s20], [sflag:$0x1] =	stream.indirect.gather [hbm4b:s17+s23], $0x40, s7, s23, $0xb8;
	[tilespmem:$0x18600] =	vst v63  }
0xb2: {  	_ = 	snop  }
0xb3: {  	[tilespmem:s18], [sflag:$0x1] =	stream.indirect.gather [hbm4b:s21+s23], $0x40, s25, s23, $0xb8;
	[tilespmem:$0x18600] =	vst v63  }
0xb4: {  	_ = 	snop  }
0xb5: {  	[tilespmem:s19], [sflag:$0x1] =	stream.indirect.gather [hbm4b:s17+s23], $0x40, s26, s23, $0xb8;
	[tilespmem:$0x18600] =	vst v63  }
0xb6: {  	_ = 	snop  }
0xb7: {  	[tilespmem:s13], [sflag:$0x2] =	stream.indirect.gather [hbm4b:s17+s23], $0x40, s23, s23, $0xb8;
	[tilespmem:$0x18600] =	vst v63  }
0xb8: {  	s0 =	rddreg [dreg:$0x14]  }
0xb9: {  	[tilespmem:s14], [sflag:$0x2] =	stream.indirect.gather [hbm4b:s21+s23], $0x40, s0, s23, $0xb8;
	[tilespmem:$0x18600] =	vst v63  }
0xba: {  	s30 =	rddreg [dreg:$0x15]  }
0xbb: {  	[tilespmem:s16], [sflag:$0x2] =	stream.indirect.gather [hbm4b:s17+s23], $0x40, s30, s23, $0xb8;
	[tilespmem:$0x18600] =	vst v63  }
0xbc: {  	s0 =	rddreg [dreg:$0x16]  }
0xbd: {  	[tilespmem:s9], [sflag:$0x3] =	stream.indirect.gather [hbm4b:s17+s23], $0x40, s0, s23, $0xb8;
	[tilespmem:$0x18600] =	vst v63  }
0xbe: {  	s30 =	rddreg [dreg:$0x17]  }
0xbf: {  	[tilespmem:s11], [sflag:$0x3] =	stream.indirect.gather [hbm4b:s21+s23], $0x40, s30, s23, $0xb8;
	[tilespmem:$0x18600] =	vst v63  }
0xc0: {  	s0 =	rddreg [dreg:$0x18]  }
0xc1: {  	[tilespmem:s12], [sflag:$0x3] =	stream.indirect.gather [hbm4b:s17+s23], $0x40, s0, s23, $0xb8;
	[tilespmem:$0x18600] =	vst v63  }
0xc2: {  	s30 =	rddreg [dreg:$0x19]  }
0xc3: {  	[tilespmem:s4], [sflag:$0x4] =	stream.indirect.gather [hbm4b:s17+s23], $0x40, s30, s23, $0xb8;
	[tilespmem:$0x18600] =	vst v63  }
0xc4: {  	s30 =	simm.s32 $0x380  }
0xc5: {  	[tilespmem:s5], [sflag:$0x4] =	stream.indirect.gather [hbm4b:s21+s23], $0x40, s30, s23, $0xb8;
	[tilespmem:$0x18600] =	vst v63  }
0xc6: {  	_ = 	snop  }
0xc7: {  	[tilespmem:s6], [sflag:$0x4] =	stream.indirect.gather [hbm4b:s17+s23], $0x40, s31, s23, $0xb8;
	[tilespmem:$0x18600] =	vst v63  }
0xc8: {  	_ =	swait.ge [sflag:s29], $0x2000  }
0xc9: {  	[sflag:s29] =	ssyncset.done $0x0  }
0xca: {  	[sflag:s29] =	ssyncadd.s32 $0xFFFFE000  }
0xcb: {  	_ =	swait.ge [sflag:s29], $0x2000  }
0xcc: {  	[sflag:s29] =	ssyncset.done $0x0  }
0xcd: {  	[sflag:s29] =	ssyncadd.s32 $0xFFFFE000  }
0xce: {  	_ =	swait.ge [sflag:s29], $0x2000  }
0xcf: {  	[sflag:s29] =	ssyncset.done $0x0  }
0xd0: {  	[sflag:s29] =	ssyncadd.s32 $0xFFFFE000  }
0xd1: {  	[hbm4b:s3+s8] =	stream.strided.scatter [tilespmem:s20], [sflag:$0x6], $0x2000, s10, s8, $0x38;
	[tilespmem:$0x18600] =	vst v63  }
0xd2: {  	s0 =	rddreg [dreg:$0x9]  }
0xd3: {  	[hbm4b:s0+s8] =	stream.strided.scatter [tilespmem:s18], [sflag:$0x6], $0x2000, s10, s8, $0x38;
	[tilespmem:$0x18600] =	vst v63  }
0xd4: {  	s30 =	rddreg [dreg:$0xa]  }
0xd5: {  	[hbm4b:s30+s8] =	stream.strided.scatter [tilespmem:s19], [sflag:$0x6], $0x2000, s10, s8, $0x38;
	[tilespmem:$0x18600] =	vst v63  }
0xd6: {  	_ =	swait.ge [sflag:s24], $0x2000  }
0xd7: {  	[sflag:s24] =	ssyncset.done $0x0  }
0xd8: {  	[sflag:s24] =	ssyncadd.s32 $0xFFFFE000  }
0xd9: {  	_ =	swait.ge [sflag:s24], $0x2000  }
0xda: {  	[sflag:s24] =	ssyncset.done $0x0  }
0xdb: {  	[sflag:s24] =	ssyncadd.s32 $0xFFFFE000  }
0xdc: {  	_ =	swait.ge [sflag:s24], $0x2000  }
0xdd: {  	[sflag:s24] =	ssyncset.done $0x0  }
0xde: {  	s0 =	rddreg [dreg:$0xb];
	[sflag:s24] =	ssyncadd.s32 $0xFFFFE000  }
0xdf: {  	[hbm4b:s0+s8] =	stream.strided.scatter [tilespmem:s13], [sflag:$0x6], $0x2000, s10, s8, $0x38;
	[tilespmem:$0x18600] =	vst v63  }
0xe0: {  	s30 =	rddreg [dreg:$0xc]  }
0xe1: {  	[hbm4b:s30+s8] =	stream.strided.scatter [tilespmem:s14], [sflag:$0x6], $0x2000, s10, s8, $0x38;
	[tilespmem:$0x18600] =	vst v63  }
0xe2: {  	s0 =	rddreg [dreg:$0xd]  }
0xe3: {  	[hbm4b:s0+s8] =	stream.strided.scatter [tilespmem:s16], [sflag:$0x6], $0x2000, s10, s8, $0x38;
	[tilespmem:$0x18600] =	vst v63  }
0xe4: {  	_ =	swait.ge [sflag:s22], $0x2000  }
0xe5: {  	[sflag:s22] =	ssyncset.done $0x0  }
0xe6: {  	[sflag:s22] =	ssyncadd.s32 $0xFFFFE000  }
0xe7: {  	_ =	swait.ge [sflag:s22], $0x2000  }
0xe8: {  	[sflag:s22] =	ssyncset.done $0x0  }
0xe9: {  	[sflag:s22] =	ssyncadd.s32 $0xFFFFE000  }
0xea: {  	_ =	swait.ge [sflag:s22], $0x2000  }
0xeb: {  	[sflag:s22] =	ssyncset.done $0x0  }
0xec: {  	s0 =	rddreg [dreg:$0xe];
	[sflag:s22] =	ssyncadd.s32 $0xFFFFE000  }
0xed: {  	[hbm4b:s0+s8] =	stream.strided.scatter [tilespmem:s9], [sflag:$0x6], $0x2000, s10, s8, $0x38;
	[tilespmem:$0x18600] =	vst v63  }
0xee: {  	s30 =	rddreg [dreg:$0xf]  }
0xef: {  	[hbm4b:s30+s8] =	stream.strided.scatter [tilespmem:s11], [sflag:$0x6], $0x2000, s10, s8, $0x38;
	[tilespmem:$0x18600] =	vst v63  }
0xf0: {  	s0 =	rddreg [dreg:$0x10]  }
0xf1: {  	[hbm4b:s0+s8] =	stream.strided.scatter [tilespmem:s12], [sflag:$0x6], $0x2000, s10, s8, $0x38;
	[tilespmem:$0x18600] =	vst v63  }
0xf2: {  	_ =	swait.ge [sflag:s15], $0x2000  }
0xf3: {  	[sflag:s15] =	ssyncset.done $0x0  }
0xf4: {  	[sflag:s15] =	ssyncadd.s32 $0xFFFFE000  }
0xf5: {  	_ =	swait.ge [sflag:s15], $0x2000  }
0xf6: {  	[sflag:s15] =	ssyncset.done $0x0  }
0xf7: {  	[sflag:s15] =	ssyncadd.s32 $0xFFFFE000  }
0xf8: {  	_ =	swait.ge [sflag:s15], $0x2000  }
0xf9: {  	[sflag:s15] =	ssyncset.done $0x0  }
0xfa: {  	s0 =	rddreg [dreg:$0x11];
	[sflag:s15] =	ssyncadd.s32 $0xFFFFE000  }
0xfb: {  	[hbm4b:s0+s8] =	stream.strided.scatter [tilespmem:s4], [sflag:$0x6], $0x2000, s10, s8, $0x38;
	[tilespmem:$0x18600] =	vst v63  }
0xfc: {  	s30 =	rddreg [dreg:$0x12]  }
0xfd: {  	[hbm4b:s30+s8] =	stream.strided.scatter [tilespmem:s5], [sflag:$0x6], $0x2000, s10, s8, $0x38;
	[tilespmem:$0x18600] =	vst v63  }
0xfe: {  	s0 =	rddreg [dreg:$0x13]  }
0xff: {  	[hbm4b:s0+s8] =	stream.strided.scatter [tilespmem:s6], [sflag:$0x6], $0x2000, s10, s8, $0x38;
	[tilespmem:$0x18600] =	vst v63  }
0x100: {  	_ =	swait.ge [sflag:s2], $0x2000  }
0x101: {  	[sflag:s2] =	ssyncset.done $0x0  }
0x102: {  	[sflag:s2] =	ssyncadd.s32 $0xFFFFE000  }
0x103: {  	_ =	swait.ge [sflag:s2], $0x2000  }
0x104: {  	[sflag:s2] =	ssyncset.done $0x0  }
0x105: {  	[sflag:s2] =	ssyncadd.s32 $0xFFFFE000  }
0x106: {  	_ =	swait.ge [sflag:s2], $0x2000  }
0x107: {  	[sflag:s2] =	ssyncset.done $0x0  }
0x108: {  	[sflag:s2] =	ssyncadd.s32 $0xFFFFE000  }
0x109: {  	_ =	swait.ge [sflag:s2], $0x2000  }
0x10a: {  	[sflag:s2] =	ssyncset.done $0x0  }
0x10b: {  	[sflag:s2] =	ssyncadd.s32 $0xFFFFE000  }
0x10c: {  	_ =	swait.ge [sflag:s2], $0x2000  }
0x10d: {  	[sflag:s2] =	ssyncset.done $0x0  }
0x10e: {  	[sflag:s2] =	ssyncadd.s32 $0xFFFFE000  }
0x10f: {  	_ =	swait.ge [sflag:s2], $0x2000  }
0x110: {  	[sflag:s2] =	ssyncset.done $0x0  }
0x111: {  	[sflag:s2] =	ssyncadd.s32 $0xFFFFE000  }
0x112: {  	_ =	swait.ge [sflag:s2], $0x2000  }
0x113: {  	[sflag:s2] =	ssyncset.done $0x0  }
0x114: {  	[sflag:s2] =	ssyncadd.s32 $0xFFFFE000  }
0x115: {  	_ =	swait.ge [sflag:s2], $0x2000  }
0x116: {  	[sflag:s2] =	ssyncset.done $0x0  }
0x117: {  	[sflag:s2] =	ssyncadd.s32 $0xFFFFE000  }
0x118: {  	_ =	swait.ge [sflag:s2], $0x2000  }
0x119: {  	[sflag:s2] =	ssyncset.done $0x0  }
0x11a: {  	[sflag:s2] =	ssyncadd.s32 $0xFFFFE000  }
0x11b: {  	_ =	swait.ge [sflag:s2], $0x2000  }
0x11c: {  	[sflag:s2] =	ssyncset.done $0x0  }
0x11d: {  	p1 =	sne.s32 s1, $0x1;
	[sflag:s2] =	ssyncadd.s32 $0xFFFFE000  }
.Ltmp2:
0x11e: {  	_ =	swait.ge [sflag:s2], $0x2000;
	(pc) =	sbr.rel @p1 .LBB2_4-.Ltmp2, $4  }
0x11f: {  	[sflag:s2] =	ssyncset.done $0x0  }
0x120: {  	[sflag:s2] =	ssyncadd.s32 $0xFFFFE000  }
0x121: {  	_ =	swait.ge [sflag:s2], $0x2000  }
0x122: {  	s1 =	sadd.s32 $0xFFFFFFFF, s1;
	s0 =	rddreg [dreg:$0x6];
	[sflag:s2] =	ssyncset.done $0x0  }
0x123: {  	s30 =	simm.s32 $0x580;
	s31 =	simm.s32 $0x380  }
.LBB2_6:
0x124: {  	[sflag:s2] =	ssyncadd.s32 @p0 $0xFFFFE000  }
0x125: {  	[tilespmem:s7], [sflag:$0x5] =	stream.linear.gather [hbm4b:s0+s7], $0x200, $0x38;
	[tilespmem:$0x18600] =	vst v63  }
0x126: {  	s1 =	rddreg [dreg:$0x7]  }
0x127: {  	[tilespmem:s25], [sflag:$0x5] =	stream.linear.gather [hbm4b:s1+s7], $0x200, $0x38;
	[tilespmem:$0x18600] =	vst v63  }
0x128: {  	s0 =	rddreg [dreg:$0x8]  }
0x129: {  	[tilespmem:s26], [sflag:$0x5] =	stream.linear.gather [hbm4b:s0+s7], $0x200, $0x38;
	[tilespmem:$0x18600] =	vst v63  }
0x12a: {  	_ =	swait.ge [sflag:s28], $0x200  }
0x12b: {  	[sflag:s28] =	ssyncset.done $0x0  }
0x12c: {  	[sflag:s28] =	ssyncadd.s32 $0xFFFFFE00  }
0x12d: {  	_ =	swait.ge [sflag:s28], $0x200  }
0x12e: {  	[sflag:s28] =	ssyncset.done $0x0  }
0x12f: {  	[sflag:s28] =	ssyncadd.s32 $0xFFFFFE00  }
0x130: {  	_ =	swait.ge [sflag:s28], $0x200  }
0x131: {  	[sflag:s28] =	ssyncset.done $0x0  }
0x132: {  	[sflag:s28] =	ssyncadd.s32 $0xFFFFFE00  }
0x133: {  	[tilespmem:s20], [sflag:$0x1] =	stream.indirect.gather [hbm4b:s17+s23], $0x40, s7, s23, $0xb8;
	[tilespmem:$0x18600] =	vst v63  }
0x134: {  	_ = 	snop  }
0x135: {  	[tilespmem:s18], [sflag:$0x1] =	stream.indirect.gather [hbm4b:s21+s23], $0x40, s25, s23, $0xb8;
	[tilespmem:$0x18600] =	vst v63  }
0x136: {  	_ = 	snop  }
0x137: {  	[tilespmem:s19], [sflag:$0x1] =	stream.indirect.gather [hbm4b:s17+s23], $0x40, s26, s23, $0xb8;
	[tilespmem:$0x18600] =	vst v63  }
0x138: {  	_ = 	snop  }
0x139: {  	[tilespmem:s13], [sflag:$0x2] =	stream.indirect.gather [hbm4b:s17+s23], $0x40, s23, s23, $0xb8;
	[tilespmem:$0x18600] =	vst v63  }
0x13a: {  	s26 =	rddreg [dreg:$0x14]  }
0x13b: {  	[tilespmem:s14], [sflag:$0x2] =	stream.indirect.gather [hbm4b:s21+s23], $0x40, s26, s23, $0xb8;
	[tilespmem:$0x18600] =	vst v63  }
0x13c: {  	s28 =	rddreg [dreg:$0x15]  }
0x13d: {  	[tilespmem:s16], [sflag:$0x2] =	stream.indirect.gather [hbm4b:s17+s23], $0x40, s28, s23, $0xb8;
	[tilespmem:$0x18600] =	vst v63  }
0x13e: {  	s7 =	rddreg [dreg:$0x16]  }
0x13f: {  	[tilespmem:s9], [sflag:$0x3] =	stream.indirect.gather [hbm4b:s17+s23], $0x40, s7, s23, $0xb8;
	[tilespmem:$0x18600] =	vst v63  }
0x140: {  	s25 =	rddreg [dreg:$0x17]  }
0x141: {  	[tilespmem:s11], [sflag:$0x3] =	stream.indirect.gather [hbm4b:s21+s23], $0x40, s25, s23, $0xb8;
	[tilespmem:$0x18600] =	vst v63  }
0x142: {  	s26 =	rddreg [dreg:$0x18]  }
0x143: {  	[tilespmem:s12], [sflag:$0x3] =	stream.indirect.gather [hbm4b:s17+s23], $0x40, s26, s23, $0xb8;
	[tilespmem:$0x18600] =	vst v63  }
0x144: {  	s28 =	rddreg [dreg:$0x19]  }
0x145: {  	[tilespmem:s4], [sflag:$0x4] =	stream.indirect.gather [hbm4b:s17+s23], $0x40, s28, s23, $0xb8;
	[tilespmem:$0x18600] =	vst v63  }
0x146: {  	_ = 	snop  }
0x147: {  	[tilespmem:s5], [sflag:$0x4] =	stream.indirect.gather [hbm4b:s21+s23], $0x40, s31, s23, $0xb8;
	[tilespmem:$0x18600] =	vst v63  }
0x148: {  	_ = 	snop  }
0x149: {  	[tilespmem:s6], [sflag:$0x4] =	stream.indirect.gather [hbm4b:s17+s23], $0x40, s30, s23, $0xb8;
	[tilespmem:$0x18600] =	vst v63  }
0x14a: {  	_ =	swait.ge [sflag:s29], $0x2000  }
0x14b: {  	[sflag:s29] =	ssyncset.done $0x0  }
0x14c: {  	[sflag:s29] =	ssyncadd.s32 $0xFFFFE000  }
0x14d: {  	_ =	swait.ge [sflag:s29], $0x2000  }
0x14e: {  	[sflag:s29] =	ssyncset.done $0x0  }
0x14f: {  	[sflag:s29] =	ssyncadd.s32 $0xFFFFE000  }
0x150: {  	_ =	swait.ge [sflag:s29], $0x2000  }
0x151: {  	[sflag:s29] =	ssyncset.done $0x0  }
0x152: {  	[sflag:s29] =	ssyncadd.s32 $0xFFFFE000  }
0x153: {  	[hbm4b:s3+s8] =	stream.strided.scatter [tilespmem:s20], [sflag:$0x6], $0x2000, s10, s8, $0x38;
	[tilespmem:$0x18600] =	vst v63  }
0x154: {  	s7 =	rddreg [dreg:$0x9]  }
0x155: {  	[hbm4b:s7+s8] =	stream.strided.scatter [tilespmem:s18], [sflag:$0x6], $0x2000, s10, s8, $0x38;
	[tilespmem:$0x18600] =	vst v63  }
0x156: {  	s17 =	rddreg [dreg:$0xa]  }
0x157: {  	[hbm4b:s17+s8] =	stream.strided.scatter [tilespmem:s19], [sflag:$0x6], $0x2000, s10, s8, $0x38;
	[tilespmem:$0x18600] =	vst v63  }
0x158: {  	_ =	swait.ge [sflag:s24], $0x2000  }
0x159: {  	[sflag:s24] =	ssyncset.done $0x0  }
0x15a: {  	[sflag:s24] =	ssyncadd.s32 $0xFFFFE000  }
0x15b: {  	_ =	swait.ge [sflag:s24], $0x2000  }
0x15c: {  	[sflag:s24] =	ssyncset.done $0x0  }
0x15d: {  	[sflag:s24] =	ssyncadd.s32 $0xFFFFE000  }
0x15e: {  	_ =	swait.ge [sflag:s24], $0x2000  }
0x15f: {  	[sflag:s24] =	ssyncset.done $0x0  }
0x160: {  	s20 =	rddreg [dreg:$0xb];
	[sflag:s24] =	ssyncadd.s32 $0xFFFFE000  }
0x161: {  	[hbm4b:s20+s8] =	stream.strided.scatter [tilespmem:s13], [sflag:$0x6], $0x2000, s10, s8, $0x38;
	[tilespmem:$0x18600] =	vst v63  }
0x162: {  	s21 =	rddreg [dreg:$0xc]  }
0x163: {  	[hbm4b:s21+s8] =	stream.strided.scatter [tilespmem:s14], [sflag:$0x6], $0x2000, s10, s8, $0x38;
	[tilespmem:$0x18600] =	vst v63  }
0x164: {  	s23 =	rddreg [dreg:$0xd]  }
0x165: {  	[hbm4b:s23+s8] =	stream.strided.scatter [tilespmem:s16], [sflag:$0x6], $0x2000, s10, s8, $0x38;
	[tilespmem:$0x18600] =	vst v63  }
0x166: {  	_ =	swait.ge [sflag:s22], $0x2000  }
0x167: {  	[sflag:s22] =	ssyncset.done $0x0  }
0x168: {  	[sflag:s22] =	ssyncadd.s32 $0xFFFFE000  }
0x169: {  	_ =	swait.ge [sflag:s22], $0x2000  }
0x16a: {  	[sflag:s22] =	ssyncset.done $0x0  }
0x16b: {  	[sflag:s22] =	ssyncadd.s32 $0xFFFFE000  }
0x16c: {  	_ =	swait.ge [sflag:s22], $0x2000  }
0x16d: {  	[sflag:s22] =	ssyncset.done $0x0  }
0x16e: {  	s24 =	rddreg [dreg:$0xe];
	[sflag:s22] =	ssyncadd.s32 $0xFFFFE000  }
0x16f: {  	[hbm4b:s24+s8] =	stream.strided.scatter [tilespmem:s9], [sflag:$0x6], $0x2000, s10, s8, $0x38;
	[tilespmem:$0x18600] =	vst v63  }
0x170: {  	s25 =	rddreg [dreg:$0xf]  }
0x171: {  	[hbm4b:s25+s8] =	stream.strided.scatter [tilespmem:s11], [sflag:$0x6], $0x2000, s10, s8, $0x38;
	[tilespmem:$0x18600] =	vst v63  }
0x172: {  	s26 =	rddreg [dreg:$0x10]  }
0x173: {  	[hbm4b:s26+s8] =	stream.strided.scatter [tilespmem:s12], [sflag:$0x6], $0x2000, s10, s8, $0x38;
	[tilespmem:$0x18600] =	vst v63  }
0x174: {  	_ =	swait.ge [sflag:s15], $0x2000  }
0x175: {  	[sflag:s15] =	ssyncset.done $0x0  }
0x176: {  	[sflag:s15] =	ssyncadd.s32 $0xFFFFE000  }
0x177: {  	_ =	swait.ge [sflag:s15], $0x2000  }
0x178: {  	[sflag:s15] =	ssyncset.done $0x0  }
0x179: {  	[sflag:s15] =	ssyncadd.s32 $0xFFFFE000  }
0x17a: {  	_ =	swait.ge [sflag:s15], $0x2000  }
0x17b: {  	[sflag:s15] =	ssyncset.done $0x0  }
0x17c: {  	s28 =	rddreg [dreg:$0x11];
	[sflag:s15] =	ssyncadd.s32 $0xFFFFE000  }
0x17d: {  	[hbm4b:s28+s8] =	stream.strided.scatter [tilespmem:s4], [sflag:$0x6], $0x2000, s10, s8, $0x38;
	[tilespmem:$0x18600] =	vst v63  }
0x17e: {  	s29 =	rddreg [dreg:$0x12]  }
0x17f: {  	[hbm4b:s29+s8] =	stream.strided.scatter [tilespmem:s5], [sflag:$0x6], $0x2000, s10, s8, $0x38;
	[tilespmem:$0x18600] =	vst v63  }
0x180: {  	s30 =	rddreg [dreg:$0x13]  }
0x181: {  	[hbm4b:s30+s8] =	stream.strided.scatter [tilespmem:s6], [sflag:$0x6], $0x2000, s10, s8, $0x38;
	[tilespmem:$0x18600] =	vst v63  }
0x182: {  	_ =	swait.ge [sflag:s2], $0x2000  }
0x183: {  	[sflag:s2] =	ssyncset.done $0x0  }
0x184: {  	[sflag:s2] =	ssyncadd.s32 $0xFFFFE000  }
0x185: {  	_ =	swait.ge [sflag:s2], $0x2000  }
0x186: {  	[sflag:s2] =	ssyncset.done $0x0  }
0x187: {  	[sflag:s2] =	ssyncadd.s32 $0xFFFFE000  }
0x188: {  	_ =	swait.ge [sflag:s2], $0x2000  }
0x189: {  	[sflag:s2] =	ssyncset.done $0x0  }
0x18a: {  	[sflag:s2] =	ssyncadd.s32 $0xFFFFE000  }
0x18b: {  	_ =	swait.ge [sflag:s2], $0x2000  }
0x18c: {  	[sflag:s2] =	ssyncset.done $0x0  }
0x18d: {  	[sflag:s2] =	ssyncadd.s32 $0xFFFFE000  }
0x18e: {  	_ =	swait.ge [sflag:s2], $0x2000  }
0x18f: {  	[sflag:s2] =	ssyncset.done $0x0  }
0x190: {  	[sflag:s2] =	ssyncadd.s32 $0xFFFFE000  }
0x191: {  	_ =	swait.ge [sflag:s2], $0x2000  }
0x192: {  	[sflag:s2] =	ssyncset.done $0x0  }
0x193: {  	[sflag:s2] =	ssyncadd.s32 $0xFFFFE000  }
0x194: {  	_ =	swait.ge [sflag:s2], $0x2000  }
0x195: {  	[sflag:s2] =	ssyncset.done $0x0  }
0x196: {  	[sflag:s2] =	ssyncadd.s32 $0xFFFFE000  }
0x197: {  	_ =	swait.ge [sflag:s2], $0x2000  }
0x198: {  	[sflag:s2] =	ssyncset.done $0x0  }
0x199: {  	[sflag:s2] =	ssyncadd.s32 $0xFFFFE000  }
0x19a: {  	_ =	swait.ge [sflag:s2], $0x2000  }
0x19b: {  	[sflag:s2] =	ssyncset.done $0x0  }
0x19c: {  	[sflag:s2] =	ssyncadd.s32 $0xFFFFE000  }
0x19d: {  	_ =	swait.ge [sflag:s2], $0x2000  }
0x19e: {  	[sflag:s2] =	ssyncset.done $0x0  }
0x19f: {  	[sflag:s2] =	ssyncadd.s32 $0xFFFFE000  }
0x1a0: {  	_ =	swait.ge [sflag:s2], $0x2000  }
0x1a1: {  	[sflag:s2] =	ssyncset.done $0x0  }
0x1a2: {  	[sflag:s2] =	ssyncadd.s32 $0xFFFFE000  }
0x1a3: {  	_ =	swait.ge [sflag:s2], $0x2000  }
0x1a4: {  	[sflag:s2] =	ssyncset.done $0x0  }
0x1a5: {  	[sflag:s2] =	ssyncadd.s32 $0xFFFFE000  }
0x1a6: {  	_ =	sfence.sel $0x180000  }
0x1a7: {  	[bflag:$0x0] =	sbarrier.arrive $0xFFFF  }
0x1a8: {  	_ =	strace $0x90000047  }
0x1a9: {  	s31 =	stileid.u32;
	[bflag:$0x2] =	sbarrier.arrive $0xFFFF  }
0x1aa: {  	p0 =	sne.s32 s31, $0x0;
	s0 =	rddreg [dreg:$0x5]  }
0x1ab: {  	s0 =	sadd.s32 @!p0 $0x100000, s0  }
0x1ac: {  	[sflag:s0] =	ssyncadd.tile.s32 @!p0 $0x1;
	_ =	shalt  }
.LBB2_1:
.Ltmp3:
0x1ad: {  	(pc) =	sbr.rel .LBB2_6-.Ltmp3, $2  }
0x1ae: {  	_ =	sdelay $0x2  }
0x1af: {  	s30 =	simm.s32 $0x580;
	s31 =	simm.s32 $0x380  }
.LBB2_3:
.Ltmp4:
0x1b0: {  	(pc) =	sbr.rel .LBB2_6-.Ltmp4, $2  }
0x1b1: {  	_ =	sdelay $0x2  }
0x1b2: {  	s30 =	simm.s32 $0x580;
	s31 =	simm.s32 $0x380  }
.Lfunc_end2:
_tile_overlayer_lowered:
.L_overlay_start_2:
0x1b3: {  	(tag) =	ssettag $0x2  }
0x1b4: {  	s0 =	rddreg [dreg:$0x0];
	s2 =	stileid.u32  }
0x1b5: {  	s1 =	rddreg [dreg:$0x1];
	p0 =	sne.s32 s2, $0x0  }
0x1b6: {  	s3 =	rddreg [dreg:$0x2];
	[bflag:$0x3] =	sbarrier.arrive $0xFFFF;
	s2 =	simm.s32 @!p0 $0x1C07  }
0x1b7: {  	[timem:s3], [sflag:s2] =	dma.local @!p0 [hbm:s0], s1  }
0x1b8: {  	s0 =	simm.s32 @!p0 $0x7  }
0x1b9: {  	_ =	swait.ge @!p0 [sflag:s0], s1  }
0x1ba: {  	s1 =	ssub.s32 @!p0 $0x0, s1;
	[sflag:s0] =	ssyncset.done @!p0 $0x0  }
0x1bb: {  	[sflag:s0] =	ssyncadd.s32 @!p0 s1  }
0x1bc: {  	[bflag:$0x3] =	sbarrier.arrive $0xFFFF  }
0x1bd: {  	_ =	shalt  }

</sc_bundles>
